<compile_context>
chip_gen: v7x
topology: tpu7x:2x2x1
jax: 0.10.2.dev20260603
libtpu: 0.0.44.dev20260713+nightly
codegen_flags: <defaults>
</compile_context>

<pallas_src>
import functools

import jax
import jax.numpy as jnp
from jax import lax
from jax.experimental import pallas as pl
from jax.experimental.pallas import tpu as pltpu
from jax.experimental.pallas import tpu_sc as plsc

B, I, J, Ct, Cm, D = 16, 512, 2048, 256, 256, 128
ROWS = 2 * B * I
GATHER_CHUNK = 128


def _stage1_kernel(text_ref, mel_ref, wqr_ref, wkr_ref, wd_ref,
                   gidx_ref, frac_ref):
    scale = 1.0 / jnp.sqrt(jnp.float32(D))
    b = pl.program_id(0)
    tb = text_ref[0]
    mb = mel_ref[0]

    q = jnp.dot(tb, wqr_ref[...], preferred_element_type=jnp.float32)
    k = jnp.dot(mb, wkr_ref[...], preferred_element_type=jnp.float32)
    e = jax.lax.dot_general(q, k, (((1,), (1,)), ((), ())),
                            preferred_element_type=jnp.float32) * scale
    m = jnp.max(e, axis=1, keepdims=True)
    p = jnp.exp(e - m)
    attn = p / jnp.sum(p, axis=1, keepdims=True)
    ctx = jnp.dot(attn, k, preferred_element_type=jnp.float32)
    dl = jax.lax.dot_general(wd_ref[...], ctx, (((1,), (1,)), ((), ())),
                             preferred_element_type=jnp.float32)
    dm = jnp.max(dl, axis=1, keepdims=True)
    dp = jnp.exp(dl - dm)
    dn = dp / jnp.sum(dp, axis=1, keepdims=True)

    tdur = jnp.round(dn * jnp.float32(J))
    tri = (jax.lax.broadcasted_iota(jnp.int32, (I, I), 0)
           <= jax.lax.broadcasted_iota(jnp.int32, (I, I), 1)).astype(jnp.float32)
    cum = jnp.dot(tdur, tri, preferred_element_type=jnp.float32)
    centers = cum - tdur * 0.5
    pos = jnp.clip(centers, 0.0, jnp.float32(J - 1))
    lo = jnp.floor(pos)
    frac_ref[0] = pos - lo
    lo_i = lo.astype(jnp.int32)
    hi_i = jnp.minimum(lo_i + 1, J - 1)
    gidx_ref[0, 0] = lo_i + b * J
    gidx_ref[1, 0] = hi_i + b * J


def _stage3_kernel(text_ref, rows_ref, frac_ref, wqm_ref, wkm_ref,
                   soft_ref, hard_ref, exp_ref):
    scale = 1.0 / jnp.sqrt(jnp.float32(D))
    tb = text_ref[0]
    fr = jnp.transpose(frac_ref[0])
    mel_rs = rows_ref[0, 0] * (1.0 - fr) + rows_ref[1, 0] * fr
    k2 = jnp.dot(mel_rs, wkm_ref[...], preferred_element_type=jnp.float32)
    q2 = jnp.dot(tb, wqm_ref[...], preferred_element_type=jnp.float32)
    e2 = jax.lax.dot_general(q2, k2, (((1,), (1,)), ((), ())),
                             preferred_element_type=jnp.float32) * scale
    m2 = jnp.max(e2, axis=1, keepdims=True)
    p2 = jnp.exp(e2 - m2)
    soft = p2 / jnp.sum(p2, axis=1, keepdims=True)
    iio = jax.lax.broadcasted_iota(jnp.int32, (I, I), 1)
    idx = jnp.min(jnp.where(e2 == m2, iio, I), axis=1, keepdims=True)
    hard = (iio == idx).astype(jnp.float32)

    soft_ref[0] = soft
    hard_ref[0] = hard
    exp_ref[0] = jax.lax.dot_general(soft, tb, (((0,), (0,)), ((), ())),
                                     preferred_element_type=jnp.float32)


def _make_sc_gather():
    info = plsc.get_sparse_core_info()
    nw = info.num_cores * info.num_subcores
    per_w = ROWS // nw
    chunk = min(per_w, GATHER_CHUNK)
    n_chunks = per_w // chunk
    mesh = plsc.VectorSubcoreMesh(core_axis_name="c", subcore_axis_name="s")

    @functools.partial(
        pl.kernel, mesh=mesh,
        out_type=jax.ShapeDtypeStruct((ROWS, Cm), jnp.float32),
        scratch_types=[
            pltpu.VMEM((2, chunk), jnp.int32),
            pltpu.VMEM((chunk, Cm), jnp.float32),
            pltpu.VMEM((chunk, Cm), jnp.float32),
            pltpu.SemaphoreType.DMA,
            pltpu.SemaphoreType.DMA,
        ],
    )
    def sc_gather(mel_hbm, idx_hbm, out_hbm, idx_v, rows_a, rows_b, sem_a, sem_b):
        wid = lax.axis_index("s") * info.num_cores + lax.axis_index("c")
        base = wid * per_w
        bufs = (rows_a, rows_b)
        sems = (sem_a, sem_b)
        copies = []
        for c in range(n_chunks):
            pltpu.sync_copy(idx_hbm.at[pl.ds(base + c * chunk, chunk)],
                            idx_v.at[c % 2])
            cp = pltpu.async_copy(mel_hbm.at[idx_v.at[c % 2]], bufs[c % 2],
                                  sems[c % 2])
            copies.append(cp)
            if c % 2 == 1:
                for d in (c - 1, c):
                    copies[d].wait()
                    pltpu.sync_copy(bufs[d % 2],
                                    out_hbm.at[pl.ds(base + d * chunk, chunk)])
        if n_chunks % 2 == 1:
            copies[-1].wait()
            pltpu.sync_copy(bufs[(n_chunks - 1) % 2],
                            out_hbm.at[pl.ds(base + (n_chunks - 1) * chunk, chunk)])

    return sc_gather


@jax.jit
def _run(text_embeddings, mel_embeddings, Wq_r, Wk_r, w_d, Wq_m, Wk_m):
    wd_row = w_d.reshape(1, D)
    gidx3, frac3 = pl.pallas_call(
        _stage1_kernel,
        grid=(B,),
        in_specs=[
            pl.BlockSpec((1, I, Ct), lambda b: (b, 0, 0)),
            pl.BlockSpec((1, J, Cm), lambda b: (b, 0, 0)),
            pl.BlockSpec((Ct, D), lambda b: (0, 0)),
            pl.BlockSpec((Cm, D), lambda b: (0, 0)),
            pl.BlockSpec((1, D), lambda b: (0, 0)),
        ],
        out_specs=[
            pl.BlockSpec((2, 1, 1, I), lambda b: (0, b, 0, 0)),
            pl.BlockSpec((1, 1, I), lambda b: (b, 0, 0)),
        ],
        out_shape=[
            jax.ShapeDtypeStruct((2, B, 1, I), jnp.int32),
            jax.ShapeDtypeStruct((B, 1, I), jnp.float32),
        ],
    )(text_embeddings, mel_embeddings, Wq_r, Wk_r, wd_row)

    rows = _make_sc_gather()(mel_embeddings.reshape(B * J, Cm),
                             gidx3.reshape(ROWS))
    rows4 = rows.reshape(2, B, I, Cm)

    out = pl.pallas_call(
        _stage3_kernel,
        grid=(B,),
        in_specs=[
            pl.BlockSpec((1, I, Ct), lambda b: (b, 0, 0)),
            pl.BlockSpec((2, 1, I, Cm), lambda b: (0, b, 0, 0)),
            pl.BlockSpec((1, 1, I), lambda b: (b, 0, 0)),
            pl.BlockSpec((Ct, D), lambda b: (0, 0)),
            pl.BlockSpec((Cm, D), lambda b: (0, 0)),
        ],
        out_specs=[
            pl.BlockSpec((1, I, I), lambda b: (b, 0, 0)),
            pl.BlockSpec((1, I, I), lambda b: (b, 0, 0)),
            pl.BlockSpec((1, I, Ct), lambda b: (b, 0, 0)),
        ],
        out_shape=[
            jax.ShapeDtypeStruct((B, I, I), jnp.float32),
            jax.ShapeDtypeStruct((B, I, I), jnp.float32),
            jax.ShapeDtypeStruct((B, I, Ct), jnp.float32),
        ],
    )(text_embeddings, rows4, frac3, Wq_m, Wk_m)
    return tuple(out)


def kernel(text_embeddings, mel_embeddings, text_mask, mel_mask, Wq_r, Wk_r, w_d, Wq_m, Wk_m):
    return _run(text_embeddings, mel_embeddings, Wq_r, Wk_r, w_d, Wq_m, Wk_m)

# --- scband reference (transcript-rebuilt; emitter-appended) ---
"""Pipeline reference for scband-ro-mo-aligner-87883620811554 (READ-ONLY COPY).

The authoritative reference and input builder live on the scoring server;
editing this copy changes nothing except your own understanding.
"""

import jax, jax.numpy as jnp
import numpy as np

B, I, J, Ct, Cm, D = 16, 512, 2048, 256, 256, 128

def setup_inputs(seed: int = 0) -> dict:
    key = jax.random.key(seed)
    ks = jax.random.split(key, 10)
    return {
        "text_embeddings": jax.random.normal(ks[0], (B, I, Ct), dtype=jnp.float32),
        "mel_embeddings": jax.random.normal(ks[1], (B, J, Cm), dtype=jnp.float32),
        "text_mask": jnp.ones((B, I), dtype=bool),
        "mel_mask": jnp.ones((B, J), dtype=bool),
        "Wq_r": jax.random.normal(ks[2], (Ct, D), dtype=jnp.float32) * 0.05,
        "Wk_r": jax.random.normal(ks[3], (Cm, D), dtype=jnp.float32) * 0.05,
        "w_d": jax.random.normal(ks[4], (D,), dtype=jnp.float32) * 0.05,
        "Wq_m": jax.random.normal(ks[5], (Ct, D), dtype=jnp.float32) * 0.05,
        "Wk_m": jax.random.normal(ks[6], (Cm, D), dtype=jnp.float32) * 0.05,
    }

def _forward(text_embeddings, mel_embeddings, text_mask, mel_mask, Wq_r, Wk_r, w_d, Wq_m, Wk_m):
    d = Wq_r.shape[1]
    scale = 1.0 / jnp.sqrt(jnp.float32(d))
    # ---- RoughAligner: cross-attention pooled duration predictor ----
    q = text_embeddings @ Wq_r                      # (B, I, D)
    k = mel_embeddings @ Wk_r                       # (B, J, D)
    e = jnp.einsum('bid,bjd->bij', q, k) * scale    # (B, I, J)
    e = jnp.where(mel_mask[:, None, :], e, -1e9)
    attn = jax.nn.softmax(e, axis=-1)
    ctx = jnp.einsum('bij,bjd->bid', attn, k)       # (B, I, D)
    dur_logits = ctx @ w_d                          # (B, I)
    dur_logits = jnp.where(text_mask, dur_logits, -1e9)
    durations_normalized = jax.nn.softmax(dur_logits, axis=-1)
    # ---- resample_mel_embeddings: linear interp at cumulative-duration centers ----
    T = jnp.sum(mel_mask.astype(jnp.float32), axis=1)          # (B,)
    text_durations = jnp.round(durations_normalized * T[:, None])
    cum = jnp.cumsum(text_durations, axis=-1)
    centers = cum - text_durations / 2.0
    pos = jnp.clip(centers, 0.0, T[:, None] - 1.0)             # (B, I)
    lo = jnp.floor(pos).astype(jnp.int32)
    hi = jnp.clip(lo + 1, 0, mel_embeddings.shape[1] - 1)
    frac = (pos - lo.astype(jnp.float32))[..., None]
    lo_idx = jnp.broadcast_to(lo[..., None], (lo.shape[0], lo.shape[1], mel_embeddings.shape[2]))
    hi_idx = jnp.broadcast_to(hi[..., None], (hi.shape[0], hi.shape[1], mel_embeddings.shape[2]))
    mel_lo = jnp.take_along_axis(mel_embeddings, lo_idx, axis=1)
    mel_hi = jnp.take_along_axis(mel_embeddings, hi_idx, axis=1)
    mel_resampled = mel_lo * (1.0 - frac) + mel_hi * frac      # (B, I, Cm)
    # ---- MoBoAligner: monotonic boundary attention between text and resampled mel ----
    q2 = text_embeddings @ Wq_m                     # (B, I, D)
    k2 = mel_resampled @ Wk_m                       # (B, I, D)
    e2 = jnp.einsum('bid,bjd->bij', q2, k2) * scale # (B, I, I)
    e2 = jnp.where(text_mask[:, None, :], e2, -1e9)
    soft_alignment = jax.nn.softmax(e2, axis=-1)
    soft_alignment = soft_alignment * text_mask[:, :, None].astype(jnp.float32)
    hard_alignment = jax.nn.one_hot(jnp.argmax(e2, axis=-1), e2.shape[-1], dtype=jnp.float32)
    hard_alignment = hard_alignment * text_mask[:, :, None].astype(jnp.float32)
    expanded_text_embeddings = jnp.einsum('bij,bic->bjc', soft_alignment, text_embeddings)
    return soft_alignment, hard_alignment, expanded_text_embeddings

def reference(text_embeddings, mel_embeddings, text_mask, mel_mask, Wq_r, Wk_r, w_d, Wq_m, Wk_m):
    # direction=["forward"] is a non-tensor config arg; closed over as a constant.
    return _forward(text_embeddings, mel_embeddings, text_mask, mel_mask, Wq_r, Wk_r, w_d, Wq_m, Wk_m)

if __name__ == "__main__":
    import jax
    _d = setup_inputs()
    print(jax.jit(kernel)(*tuple(_d.values())))

</pallas_src>

<mosaic_0001>
#map = affine_map<(d0, d1) -> (0, 0)>
#map1 = affine_map<(d0, d1) -> (0)>
module attributes {stable_mosaic.version = 14 : i64} {
  func.func @sc_gather(%arg0: i32, %arg1: i32, %arg2: memref<32768x256xf32, #tpu.memory_space<hbm>>, %arg3: memref<16384xi32, #tpu.memory_space<hbm>>, %arg4: memref<16384x256xf32, #tpu.memory_space<hbm>>, %arg5: memref<2x128xi32, #tpu.memory_space<vmem>>, %arg6: memref<128x256xf32, #tpu.memory_space<vmem>>, %arg7: memref<128x256xf32, #tpu.memory_space<vmem>>, %arg8: memref<!tpu.dma_semaphore, #tpu.memory_space<semaphore_mem>>, %arg9: memref<!tpu.dma_semaphore, #tpu.memory_space<semaphore_mem>>) attributes {dimension_semantics = [#tpu.dimension_semantics<core_parallel>, #tpu.dimension_semantics<subcore_parallel>], iteration_bounds = array<i64: 2, 16>, scalar_prefetch = 0 : i64, scratch_operands = 5 : i64, tpu.core_type = #tpu.core_type<sc_vector_subcore>, window_params = [{transform_indices = #map}, {transform_indices = #map1}, {transform_indices = #map}]} {
    %mul3A = arith.constant 2 : i32
    %mul3A_0 = arith.muli %arg1, %mul3A : i32
    %add3A = arith.addi %mul3A_0, %arg0 : i32
    %mul3A_1 = arith.constant 512 : i32
    %mul3A_2 = arith.muli %add3A, %mul3A_1 : i32
    %add3A_3 = arith.constant 0 : i32
    %add3A_4 = arith.addi %mul3A_2, %add3A_3 : i32
    %run_scoped3A = arith.constant 0 : i32
    "tpu.region"() ({
      %run_scoped3A_76 = tpu.sem_alloc : memref<!tpu.dma_semaphore, #tpu.memory_space<semaphore_mem>>
      %dma_start3A_77 = arith.constant 0 : i32
      %dma_start3A_78 = tpu.memref_slice %arg5[%run_scoped3A, %dma_start3A_77] : memref<2x128xi32, #tpu.memory_space<vmem>> -> memref<1x128xi32, #tpu.memory_space<vmem>>
      %dma_start3A_79 = tpu.memref_squeeze %dma_start3A_78 : memref<1x128xi32, #tpu.memory_space<vmem>> -> memref<128xi32, #tpu.memory_space<vmem>>
      %dma_start3A_80 = tpu.memref_slice %arg3[%add3A_4] : memref<16384xi32, #tpu.memory_space<hbm>> -> memref<128xi32, #tpu.memory_space<hbm>>
      %dma_start3A_81 = arith.constant 0 : i32
      %dma_start3A_82 = tpu.memref_slice %arg5[%run_scoped3A, %dma_start3A_81] : memref<2x128xi32, #tpu.memory_space<vmem>> -> memref<1x128xi32, #tpu.memory_space<vmem>>
      %dma_start3A_83 = tpu.memref_squeeze %dma_start3A_82 : memref<1x128xi32, #tpu.memory_space<vmem>> -> memref<128xi32, #tpu.memory_space<vmem>>
      %dma_start3A_84 = tpu.memref_slice %arg3[%add3A_4] : memref<16384xi32, #tpu.memory_space<hbm>> -> memref<128xi32, #tpu.memory_space<hbm>>
      tpu.enqueue_dma source(%dma_start3A_84 : memref<128xi32, #tpu.memory_space<hbm>>) target(%dma_start3A_83 : memref<128xi32, #tpu.memory_space<vmem>>) target_semaphore(%run_scoped3A_76 : memref<!tpu.dma_semaphore, #tpu.memory_space<semaphore_mem>>)
      %dma_wait3A_85 = arith.constant 0 : i32
      %dma_wait3A_86 = tpu.memref_slice %arg5[%run_scoped3A, %dma_wait3A_85] : memref<2x128xi32, #tpu.memory_space<vmem>> -> memref<1x128xi32, #tpu.memory_space<vmem>>
      %dma_wait3A_87 = tpu.memref_squeeze %dma_wait3A_86 : memref<1x128xi32, #tpu.memory_space<vmem>> -> memref<128xi32, #tpu.memory_space<vmem>>
      %dma_wait3A_88 = tpu.memref_slice %arg3[%add3A_4] : memref<16384xi32, #tpu.memory_space<hbm>> -> memref<128xi32, #tpu.memory_space<hbm>>
      %dma_wait3A_89 = arith.constant 0 : i32
      %dma_wait3A_90 = tpu.memref_slice %arg5[%run_scoped3A, %dma_wait3A_89] : memref<2x128xi32, #tpu.memory_space<vmem>> -> memref<1x128xi32, #tpu.memory_space<vmem>>
      %dma_wait3A_91 = tpu.memref_squeeze %dma_wait3A_90 : memref<1x128xi32, #tpu.memory_space<vmem>> -> memref<128xi32, #tpu.memory_space<vmem>>
      %dma_wait3A_92 = tpu.memref_slice %arg3[%add3A_4] : memref<16384xi32, #tpu.memory_space<hbm>> -> memref<128xi32, #tpu.memory_space<hbm>>
      tpu.wait_dma2 semaphore(%run_scoped3A_76 : memref<!tpu.dma_semaphore, #tpu.memory_space<semaphore_mem>>) src(%dma_wait3A_92 : memref<128xi32, #tpu.memory_space<hbm>>) dst(%dma_wait3A_91 : memref<128xi32, #tpu.memory_space<vmem>>)
      tpu.yield
    }) : () -> ()
    %dma_start3A = arith.constant 0 : i32
    %dma_start3A_5 = arith.constant 0 : i32
    %dma_start3A_6 = tpu.memref_slice %arg5[%dma_start3A, %dma_start3A_5] : memref<2x128xi32, #tpu.memory_space<vmem>> -> memref<1x128xi32, #tpu.memory_space<vmem>>
    %dma_start3A_7 = tpu.memref_squeeze %dma_start3A_6 : memref<1x128xi32, #tpu.memory_space<vmem>> -> memref<128xi32, #tpu.memory_space<vmem>>
    %dma_start3A_8 = arith.constant 0 : i32
    %dma_start3A_9 = arith.constant 0 : i32
    %dma_start3A_10 = tpu.memref_slice %arg2[%dma_start3A_8, %dma_start3A_9] : memref<32768x256xf32, #tpu.memory_space<hbm>> -> memref<32768x256xf32, #tpu.memory_space<hbm>>
    tpu.enqueue_indirect_dma source(%dma_start3A_10 : memref<32768x256xf32, #tpu.memory_space<hbm>>) target(%arg6 : memref<128x256xf32, #tpu.memory_space<vmem>>) offsets(%dma_start3A_7 : memref<128xi32, #tpu.memory_space<vmem>>) semaphore(%arg8 : memref<!tpu.dma_semaphore, #tpu.memory_space<semaphore_mem>>)
    %add3A_11 = arith.constant 128 : i32
    %add3A_12 = arith.addi %mul3A_2, %add3A_11 : i32
    %run_scoped3A_13 = arith.constant 1 : i32
    "tpu.region"() ({
      %run_scoped3A_76 = tpu.sem_alloc : memref<!tpu.dma_semaphore, #tpu.memory_space<semaphore_mem>>
      %dma_start3A_77 = arith.constant 0 : i32
      %dma_start3A_78 = tpu.memref_slice %arg5[%run_scoped3A_13, %dma_start3A_77] : memref<2x128xi32, #tpu.memory_space<vmem>> -> memref<1x128xi32, #tpu.memory_space<vmem>>
      %dma_start3A_79 = tpu.memref_squeeze %dma_start3A_78 : memref<1x128xi32, #tpu.memory_space<vmem>> -> memref<128xi32, #tpu.memory_space<vmem>>
      %dma_start3A_80 = tpu.memref_slice %arg3[%add3A_12] : memref<16384xi32, #tpu.memory_space<hbm>> -> memref<128xi32, #tpu.memory_space<hbm>>
      %dma_start3A_81 = arith.constant 0 : i32
      %dma_start3A_82 = tpu.memref_slice %arg5[%run_scoped3A_13, %dma_start3A_81] : memref<2x128xi32, #tpu.memory_space<vmem>> -> memref<1x128xi32, #tpu.memory_space<vmem>>
      %dma_start3A_83 = tpu.memref_squeeze %dma_start3A_82 : memref<1x128xi32, #tpu.memory_space<vmem>> -> memref<128xi32, #tpu.memory_space<vmem>>
      %dma_start3A_84 = tpu.memref_slice %arg3[%add3A_12] : memref<16384xi32, #tpu.memory_space<hbm>> -> memref<128xi32, #tpu.memory_space<hbm>>
      tpu.enqueue_dma source(%dma_start3A_84 : memref<128xi32, #tpu.memory_space<hbm>>) target(%dma_start3A_83 : memref<128xi32, #tpu.memory_space<vmem>>) target_semaphore(%run_scoped3A_76 : memref<!tpu.dma_semaphore, #tpu.memory_space<semaphore_mem>>)
      %dma_wait3A_85 = arith.constant 0 : i32
      %dma_wait3A_86 = tpu.memref_slice %arg5[%run_scoped3A_13, %dma_wait3A_85] : memref<2x128xi32, #tpu.memory_space<vmem>> -> memref<1x128xi32, #tpu.memory_space<vmem>>
      %dma_wait3A_87 = tpu.memref_squeeze %dma_wait3A_86 : memref<1x128xi32, #tpu.memory_space<vmem>> -> memref<128xi32, #tpu.memory_space<vmem>>
      %dma_wait3A_88 = tpu.memref_slice %arg3[%add3A_12] : memref<16384xi32, #tpu.memory_space<hbm>> -> memref<128xi32, #tpu.memory_space<hbm>>
      %dma_wait3A_89 = arith.constant 0 : i32
      %dma_wait3A_90 = tpu.memref_slice %arg5[%run_scoped3A_13, %dma_wait3A_89] : memref<2x128xi32, #tpu.memory_space<vmem>> -> memref<1x128xi32, #tpu.memory_space<vmem>>
      %dma_wait3A_91 = tpu.memref_squeeze %dma_wait3A_90 : memref<1x128xi32, #tpu.memory_space<vmem>> -> memref<128xi32, #tpu.memory_space<vmem>>
      %dma_wait3A_92 = tpu.memref_slice %arg3[%add3A_12] : memref<16384xi32, #tpu.memory_space<hbm>> -> memref<128xi32, #tpu.memory_space<hbm>>
      tpu.wait_dma2 semaphore(%run_scoped3A_76 : memref<!tpu.dma_semaphore, #tpu.memory_space<semaphore_mem>>) src(%dma_wait3A_92 : memref<128xi32, #tpu.memory_space<hbm>>) dst(%dma_wait3A_91 : memref<128xi32, #tpu.memory_space<vmem>>)
      tpu.yield
    }) : () -> ()
    %dma_start3A_14 = arith.constant 1 : i32
    %dma_start3A_15 = arith.constant 0 : i32
    %dma_start3A_16 = tpu.memref_slice %arg5[%dma_start3A_14, %dma_start3A_15] : memref<2x128xi32, #tpu.memory_space<vmem>> -> memref<1x128xi32, #tpu.memory_space<vmem>>
    %dma_start3A_17 = tpu.memref_squeeze %dma_start3A_16 : memref<1x128xi32, #tpu.memory_space<vmem>> -> memref<128xi32, #tpu.memory_space<vmem>>
    %dma_start3A_18 = arith.constant 0 : i32
    %dma_start3A_19 = arith.constant 0 : i32
    %dma_start3A_20 = tpu.memref_slice %arg2[%dma_start3A_18, %dma_start3A_19] : memref<32768x256xf32, #tpu.memory_space<hbm>> -> memref<32768x256xf32, #tpu.memory_space<hbm>>
    tpu.enqueue_indirect_dma source(%dma_start3A_20 : memref<32768x256xf32, #tpu.memory_space<hbm>>) target(%arg7 : memref<128x256xf32, #tpu.memory_space<vmem>>) offsets(%dma_start3A_17 : memref<128xi32, #tpu.memory_space<vmem>>) semaphore(%arg9 : memref<!tpu.dma_semaphore, #tpu.memory_space<semaphore_mem>>)
    %dma_wait3A = arith.constant 0 : i32
    %dma_wait3A_21 = arith.constant 0 : i32
    %dma_wait3A_22 = tpu.memref_slice %arg5[%dma_wait3A, %dma_wait3A_21] : memref<2x128xi32, #tpu.memory_space<vmem>> -> memref<1x128xi32, #tpu.memory_space<vmem>>
    %dma_wait3A_23 = tpu.memref_squeeze %dma_wait3A_22 : memref<1x128xi32, #tpu.memory_space<vmem>> -> memref<128xi32, #tpu.memory_space<vmem>>
    %dma_wait3A_24 = arith.constant 0 : i32
    %dma_wait3A_25 = arith.constant 0 : i32
    %dma_wait3A_26 = tpu.memref_slice %arg2[%dma_wait3A_24, %dma_wait3A_25] : memref<32768x256xf32, #tpu.memory_space<hbm>> -> memref<32768x256xf32, #tpu.memory_space<hbm>>
    tpu.wait_indirect_dma semaphore(%arg8 : memref<!tpu.dma_semaphore, #tpu.memory_space<semaphore_mem>>) src(%dma_wait3A_26 : memref<32768x256xf32, #tpu.memory_space<hbm>>) dst(%arg6 : memref<128x256xf32, #tpu.memory_space<vmem>>)
    %add3A_27 = arith.constant 0 : i32
    %add3A_28 = arith.addi %mul3A_2, %add3A_27 : i32
    "tpu.region"() ({
      %run_scoped3A_76 = tpu.sem_alloc : memref<!tpu.dma_semaphore, #tpu.memory_space<semaphore_mem>>
      %dma_start3A_77 = arith.constant 0 : i32
      %dma_start3A_78 = tpu.memref_slice %arg4[%add3A_28, %dma_start3A_77] : memref<16384x256xf32, #tpu.memory_space<hbm>> -> memref<128x256xf32, #tpu.memory_space<hbm>>
      %dma_start3A_79 = arith.constant 0 : i32
      %dma_start3A_80 = tpu.memref_slice %arg4[%add3A_28, %dma_start3A_79] : memref<16384x256xf32, #tpu.memory_space<hbm>> -> memref<128x256xf32, #tpu.memory_space<hbm>>
      tpu.enqueue_dma source(%arg6 : memref<128x256xf32, #tpu.memory_space<vmem>>) target(%dma_start3A_80 : memref<128x256xf32, #tpu.memory_space<hbm>>) target_semaphore(%run_scoped3A_76 : memref<!tpu.dma_semaphore, #tpu.memory_space<semaphore_mem>>)
      %dma_wait3A_81 = arith.constant 0 : i32
      %dma_wait3A_82 = tpu.memref_slice %arg4[%add3A_28, %dma_wait3A_81] : memref<16384x256xf32, #tpu.memory_space<hbm>> -> memref<128x256xf32, #tpu.memory_space<hbm>>
      %dma_wait3A_83 = arith.constant 0 : i32
      %dma_wait3A_84 = tpu.memref_slice %arg4[%add3A_28, %dma_wait3A_83] : memref<16384x256xf32, #tpu.memory_space<hbm>> -> memref<128x256xf32, #tpu.memory_space<hbm>>
      tpu.wait_dma2 semaphore(%run_scoped3A_76 : memref<!tpu.dma_semaphore, #tpu.memory_space<semaphore_mem>>) src(%arg6 : memref<128x256xf32, #tpu.memory_space<vmem>>) dst(%dma_wait3A_84 : memref<128x256xf32, #tpu.memory_space<hbm>>)
      tpu.yield
    }) : () -> ()
    %dma_wait3A_29 = arith.constant 1 : i32
    %dma_wait3A_30 = arith.constant 0 : i32
    %dma_wait3A_31 = tpu.memref_slice %arg5[%dma_wait3A_29, %dma_wait3A_30] : memref<2x128xi32, #tpu.memory_space<vmem>> -> memref<1x128xi32, #tpu.memory_space<vmem>>
    %dma_wait3A_32 = tpu.memref_squeeze %dma_wait3A_31 : memref<1x128xi32, #tpu.memory_space<vmem>> -> memref<128xi32, #tpu.memory_space<vmem>>
    %dma_wait3A_33 = arith.constant 0 : i32
    %dma_wait3A_34 = arith.constant 0 : i32
    %dma_wait3A_35 = tpu.memref_slice %arg2[%dma_wait3A_33, %dma_wait3A_34] : memref<32768x256xf32, #tpu.memory_space<hbm>> -> memref<32768x256xf32, #tpu.memory_space<hbm>>
    tpu.wait_indirect_dma semaphore(%arg9 : memref<!tpu.dma_semaphore, #tpu.memory_space<semaphore_mem>>) src(%dma_wait3A_35 : memref<32768x256xf32, #tpu.memory_space<hbm>>) dst(%arg7 : memref<128x256xf32, #tpu.memory_space<vmem>>)
    %add3A_36 = arith.constant 128 : i32
    %add3A_37 = arith.addi %mul3A_2, %add3A_36 : i32
    "tpu.region"() ({
      %run_scoped3A_76 = tpu.sem_alloc : memref<!tpu.dma_semaphore, #tpu.memory_space<semaphore_mem>>
      %dma_start3A_77 = arith.constant 0 : i32
      %dma_start3A_78 = tpu.memref_slice %arg4[%add3A_37, %dma_start3A_77] : memref<16384x256xf32, #tpu.memory_space<hbm>> -> memref<128x256xf32, #tpu.memory_space<hbm>>
      %dma_start3A_79 = arith.constant 0 : i32
      %dma_start3A_80 = tpu.memref_slice %arg4[%add3A_37, %dma_start3A_79] : memref<16384x256xf32, #tpu.memory_space<hbm>> -> memref<128x256xf32, #tpu.memory_space<hbm>>
      tpu.enqueue_dma source(%arg7 : memref<128x256xf32, #tpu.memory_space<vmem>>) target(%dma_start3A_80 : memref<128x256xf32, #tpu.memory_space<hbm>>) target_semaphore(%run_scoped3A_76 : memref<!tpu.dma_semaphore, #tpu.memory_space<semaphore_mem>>)
      %dma_wait3A_81 = arith.constant 0 : i32
      %dma_wait3A_82 = tpu.memref_slice %arg4[%add3A_37, %dma_wait3A_81] : memref<16384x256xf32, #tpu.memory_space<hbm>> -> memref<128x256xf32, #tpu.memory_space<hbm>>
      %dma_wait3A_83 = arith.constant 0 : i32
      %dma_wait3A_84 = tpu.memref_slice %arg4[%add3A_37, %dma_wait3A_83] : memref<16384x256xf32, #tpu.memory_space<hbm>> -> memref<128x256xf32, #tpu.memory_space<hbm>>
      tpu.wait_dma2 semaphore(%run_scoped3A_76 : memref<!tpu.dma_semaphore, #tpu.memory_space<semaphore_mem>>) src(%arg7 : memref<128x256xf32, #tpu.memory_space<vmem>>) dst(%dma_wait3A_84 : memref<128x256xf32, #tpu.memory_space<hbm>>)
      tpu.yield
    }) : () -> ()
    %add3A_38 = arith.constant 256 : i32
    %add3A_39 = arith.addi %mul3A_2, %add3A_38 : i32
    %run_scoped3A_40 = arith.constant 0 : i32
    "tpu.region"() ({
      %run_scoped3A_76 = tpu.sem_alloc : memref<!tpu.dma_semaphore, #tpu.memory_space<semaphore_mem>>
      %dma_start3A_77 = arith.constant 0 : i32
      %dma_start3A_78 = tpu.memref_slice %arg5[%run_scoped3A_40, %dma_start3A_77] : memref<2x128xi32, #tpu.memory_space<vmem>> -> memref<1x128xi32, #tpu.memory_space<vmem>>
      %dma_start3A_79 = tpu.memref_squeeze %dma_start3A_78 : memref<1x128xi32, #tpu.memory_space<vmem>> -> memref<128xi32, #tpu.memory_space<vmem>>
      %dma_start3A_80 = tpu.memref_slice %arg3[%add3A_39] : memref<16384xi32, #tpu.memory_space<hbm>> -> memref<128xi32, #tpu.memory_space<hbm>>
      %dma_start3A_81 = arith.constant 0 : i32
      %dma_start3A_82 = tpu.memref_slice %arg5[%run_scoped3A_40, %dma_start3A_81] : memref<2x128xi32, #tpu.memory_space<vmem>> -> memref<1x128xi32, #tpu.memory_space<vmem>>
      %dma_start3A_83 = tpu.memref_squeeze %dma_start3A_82 : memref<1x128xi32, #tpu.memory_space<vmem>> -> memref<128xi32, #tpu.memory_space<vmem>>
      %dma_start3A_84 = tpu.memref_slice %arg3[%add3A_39] : memref<16384xi32, #tpu.memory_space<hbm>> -> memref<128xi32, #tpu.memory_space<hbm>>
      tpu.enqueue_dma source(%dma_start3A_84 : memref<128xi32, #tpu.memory_space<hbm>>) target(%dma_start3A_83 : memref<128xi32, #tpu.memory_space<vmem>>) target_semaphore(%run_scoped3A_76 : memref<!tpu.dma_semaphore, #tpu.memory_space<semaphore_mem>>)
      %dma_wait3A_85 = arith.constant 0 : i32
      %dma_wait3A_86 = tpu.memref_slice %arg5[%run_scoped3A_40, %dma_wait3A_85] : memref<2x128xi32, #tpu.memory_space<vmem>> -> memref<1x128xi32, #tpu.memory_space<vmem>>
      %dma_wait3A_87 = tpu.memref_squeeze %dma_wait3A_86 : memref<1x128xi32, #tpu.memory_space<vmem>> -> memref<128xi32, #tpu.memory_space<vmem>>
      %dma_wait3A_88 = tpu.memref_slice %arg3[%add3A_39] : memref<16384xi32, #tpu.memory_space<hbm>> -> memref<128xi32, #tpu.memory_space<hbm>>
      %dma_wait3A_89 = arith.constant 0 : i32
      %dma_wait3A_90 = tpu.memref_slice %arg5[%run_scoped3A_40, %dma_wait3A_89] : memref<2x128xi32, #tpu.memory_space<vmem>> -> memref<1x128xi32, #tpu.memory_space<vmem>>
      %dma_wait3A_91 = tpu.memref_squeeze %dma_wait3A_90 : memref<1x128xi32, #tpu.memory_space<vmem>> -> memref<128xi32, #tpu.memory_space<vmem>>
      %dma_wait3A_92 = tpu.memref_slice %arg3[%add3A_39] : memref<16384xi32, #tpu.memory_space<hbm>> -> memref<128xi32, #tpu.memory_space<hbm>>
      tpu.wait_dma2 semaphore(%run_scoped3A_76 : memref<!tpu.dma_semaphore, #tpu.memory_space<semaphore_mem>>) src(%dma_wait3A_92 : memref<128xi32, #tpu.memory_space<hbm>>) dst(%dma_wait3A_91 : memref<128xi32, #tpu.memory_space<vmem>>)
      tpu.yield
    }) : () -> ()
    %dma_start3A_41 = arith.constant 0 : i32
    %dma_start3A_42 = arith.constant 0 : i32
    %dma_start3A_43 = tpu.memref_slice %arg5[%dma_start3A_41, %dma_start3A_42] : memref<2x128xi32, #tpu.memory_space<vmem>> -> memref<1x128xi32, #tpu.memory_space<vmem>>
    %dma_start3A_44 = tpu.memref_squeeze %dma_start3A_43 : memref<1x128xi32, #tpu.memory_space<vmem>> -> memref<128xi32, #tpu.memory_space<vmem>>
    %dma_start3A_45 = arith.constant 0 : i32
    %dma_start3A_46 = arith.constant 0 : i32
    %dma_start3A_47 = tpu.memref_slice %arg2[%dma_start3A_45, %dma_start3A_46] : memref<32768x256xf32, #tpu.memory_space<hbm>> -> memref<32768x256xf32, #tpu.memory_space<hbm>>
    tpu.enqueue_indirect_dma source(%dma_start3A_47 : memref<32768x256xf32, #tpu.memory_space<hbm>>) target(%arg6 : memref<128x256xf32, #tpu.memory_space<vmem>>) offsets(%dma_start3A_44 : memref<128xi32, #tpu.memory_space<vmem>>) semaphore(%arg8 : memref<!tpu.dma_semaphore, #tpu.memory_space<semaphore_mem>>)
    %add3A_48 = arith.constant 384 : i32
    %add3A_49 = arith.addi %mul3A_2, %add3A_48 : i32
    %run_scoped3A_50 = arith.constant 1 : i32
    "tpu.region"() ({
      %run_scoped3A_76 = tpu.sem_alloc : memref<!tpu.dma_semaphore, #tpu.memory_space<semaphore_mem>>
      %dma_start3A_77 = arith.constant 0 : i32
      %dma_start3A_78 = tpu.memref_slice %arg5[%run_scoped3A_50, %dma_start3A_77] : memref<2x128xi32, #tpu.memory_space<vmem>> -> memref<1x128xi32, #tpu.memory_space<vmem>>
      %dma_start3A_79 = tpu.memref_squeeze %dma_start3A_78 : memref<1x128xi32, #tpu.memory_space<vmem>> -> memref<128xi32, #tpu.memory_space<vmem>>
      %dma_start3A_80 = tpu.memref_slice %arg3[%add3A_49] : memref<16384xi32, #tpu.memory_space<hbm>> -> memref<128xi32, #tpu.memory_space<hbm>>
      %dma_start3A_81 = arith.constant 0 : i32
      %dma_start3A_82 = tpu.memref_slice %arg5[%run_scoped3A_50, %dma_start3A_81] : memref<2x128xi32, #tpu.memory_space<vmem>> -> memref<1x128xi32, #tpu.memory_space<vmem>>
      %dma_start3A_83 = tpu.memref_squeeze %dma_start3A_82 : memref<1x128xi32, #tpu.memory_space<vmem>> -> memref<128xi32, #tpu.memory_space<vmem>>
      %dma_start3A_84 = tpu.memref_slice %arg3[%add3A_49] : memref<16384xi32, #tpu.memory_space<hbm>> -> memref<128xi32, #tpu.memory_space<hbm>>
      tpu.enqueue_dma source(%dma_start3A_84 : memref<128xi32, #tpu.memory_space<hbm>>) target(%dma_start3A_83 : memref<128xi32, #tpu.memory_space<vmem>>) target_semaphore(%run_scoped3A_76 : memref<!tpu.dma_semaphore, #tpu.memory_space<semaphore_mem>>)
      %dma_wait3A_85 = arith.constant 0 : i32
      %dma_wait3A_86 = tpu.memref_slice %arg5[%run_scoped3A_50, %dma_wait3A_85] : memref<2x128xi32, #tpu.memory_space<vmem>> -> memref<1x128xi32, #tpu.memory_space<vmem>>
      %dma_wait3A_87 = tpu.memref_squeeze %dma_wait3A_86 : memref<1x128xi32, #tpu.memory_space<vmem>> -> memref<128xi32, #tpu.memory_space<vmem>>
      %dma_wait3A_88 = tpu.memref_slice %arg3[%add3A_49] : memref<16384xi32, #tpu.memory_space<hbm>> -> memref<128xi32, #tpu.memory_space<hbm>>
      %dma_wait3A_89 = arith.constant 0 : i32
      %dma_wait3A_90 = tpu.memref_slice %arg5[%run_scoped3A_50, %dma_wait3A_89] : memref<2x128xi32, #tpu.memory_space<vmem>> -> memref<1x128xi32, #tpu.memory_space<vmem>>
      %dma_wait3A_91 = tpu.memref_squeeze %dma_wait3A_90 : memref<1x128xi32, #tpu.memory_space<vmem>> -> memref<128xi32, #tpu.memory_space<vmem>>
      %dma_wait3A_92 = tpu.memref_slice %arg3[%add3A_49] : memref<16384xi32, #tpu.memory_space<hbm>> -> memref<128xi32, #tpu.memory_space<hbm>>
      tpu.wait_dma2 semaphore(%run_scoped3A_76 : memref<!tpu.dma_semaphore, #tpu.memory_space<semaphore_mem>>) src(%dma_wait3A_92 : memref<128xi32, #tpu.memory_space<hbm>>) dst(%dma_wait3A_91 : memref<128xi32, #tpu.memory_space<vmem>>)
      tpu.yield
    }) : () -> ()
    %dma_start3A_51 = arith.constant 1 : i32
    %dma_start3A_52 = arith.constant 0 : i32
    %dma_start3A_53 = tpu.memref_slice %arg5[%dma_start3A_51, %dma_start3A_52] : memref<2x128xi32, #tpu.memory_space<vmem>> -> memref<1x128xi32, #tpu.memory_space<vmem>>
    %dma_start3A_54 = tpu.memref_squeeze %dma_start3A_53 : memref<1x128xi32, #tpu.memory_space<vmem>> -> memref<128xi32, #tpu.memory_space<vmem>>
    %dma_start3A_55 = arith.constant 0 : i32
    %dma_start3A_56 = arith.constant 0 : i32
    %dma_start3A_57 = tpu.memref_slice %arg2[%dma_start3A_55, %dma_start3A_56] : memref<32768x256xf32, #tpu.memory_space<hbm>> -> memref<32768x256xf32, #tpu.memory_space<hbm>>
    tpu.enqueue_indirect_dma source(%dma_start3A_57 : memref<32768x256xf32, #tpu.memory_space<hbm>>) target(%arg7 : memref<128x256xf32, #tpu.memory_space<vmem>>) offsets(%dma_start3A_54 : memref<128xi32, #tpu.memory_space<vmem>>) semaphore(%arg9 : memref<!tpu.dma_semaphore, #tpu.memory_space<semaphore_mem>>)
    %dma_wait3A_58 = arith.constant 0 : i32
    %dma_wait3A_59 = arith.constant 0 : i32
    %dma_wait3A_60 = tpu.memref_slice %arg5[%dma_wait3A_58, %dma_wait3A_59] : memref<2x128xi32, #tpu.memory_space<vmem>> -> memref<1x128xi32, #tpu.memory_space<vmem>>
    %dma_wait3A_61 = tpu.memref_squeeze %dma_wait3A_60 : memref<1x128xi32, #tpu.memory_space<vmem>> -> memref<128xi32, #tpu.memory_space<vmem>>
    %dma_wait3A_62 = arith.constant 0 : i32
    %dma_wait3A_63 = arith.constant 0 : i32
    %dma_wait3A_64 = tpu.memref_slice %arg2[%dma_wait3A_62, %dma_wait3A_63] : memref<32768x256xf32, #tpu.memory_space<hbm>> -> memref<32768x256xf32, #tpu.memory_space<hbm>>
    tpu.wait_indirect_dma semaphore(%arg8 : memref<!tpu.dma_semaphore, #tpu.memory_space<semaphore_mem>>) src(%dma_wait3A_64 : memref<32768x256xf32, #tpu.memory_space<hbm>>) dst(%arg6 : memref<128x256xf32, #tpu.memory_space<vmem>>)
    %add3A_65 = arith.constant 256 : i32
    %add3A_66 = arith.addi %mul3A_2, %add3A_65 : i32
    "tpu.region"() ({
      %run_scoped3A_76 = tpu.sem_alloc : memref<!tpu.dma_semaphore, #tpu.memory_space<semaphore_mem>>
      %dma_start3A_77 = arith.constant 0 : i32
      %dma_start3A_78 = tpu.memref_slice %arg4[%add3A_66, %dma_start3A_77] : memref<16384x256xf32, #tpu.memory_space<hbm>> -> memref<128x256xf32, #tpu.memory_space<hbm>>
      %dma_start3A_79 = arith.constant 0 : i32
      %dma_start3A_80 = tpu.memref_slice %arg4[%add3A_66, %dma_start3A_79] : memref<16384x256xf32, #tpu.memory_space<hbm>> -> memref<128x256xf32, #tpu.memory_space<hbm>>
      tpu.enqueue_dma source(%arg6 : memref<128x256xf32, #tpu.memory_space<vmem>>) target(%dma_start3A_80 : memref<128x256xf32, #tpu.memory_space<hbm>>) target_semaphore(%run_scoped3A_76 : memref<!tpu.dma_semaphore, #tpu.memory_space<semaphore_mem>>)
      %dma_wait3A_81 = arith.constant 0 : i32
      %dma_wait3A_82 = tpu.memref_slice %arg4[%add3A_66, %dma_wait3A_81] : memref<16384x256xf32, #tpu.memory_space<hbm>> -> memref<128x256xf32, #tpu.memory_space<hbm>>
      %dma_wait3A_83 = arith.constant 0 : i32
      %dma_wait3A_84 = tpu.memref_slice %arg4[%add3A_66, %dma_wait3A_83] : memref<16384x256xf32, #tpu.memory_space<hbm>> -> memref<128x256xf32, #tpu.memory_space<hbm>>
      tpu.wait_dma2 semaphore(%run_scoped3A_76 : memref<!tpu.dma_semaphore, #tpu.memory_space<semaphore_mem>>) src(%arg6 : memref<128x256xf32, #tpu.memory_space<vmem>>) dst(%dma_wait3A_84 : memref<128x256xf32, #tpu.memory_space<hbm>>)
      tpu.yield
    }) : () -> ()
    %dma_wait3A_67 = arith.constant 1 : i32
    %dma_wait3A_68 = arith.constant 0 : i32
    %dma_wait3A_69 = tpu.memref_slice %arg5[%dma_wait3A_67, %dma_wait3A_68] : memref<2x128xi32, #tpu.memory_space<vmem>> -> memref<1x128xi32, #tpu.memory_space<vmem>>
    %dma_wait3A_70 = tpu.memref_squeeze %dma_wait3A_69 : memref<1x128xi32, #tpu.memory_space<vmem>> -> memref<128xi32, #tpu.memory_space<vmem>>
    %dma_wait3A_71 = arith.constant 0 : i32
    %dma_wait3A_72 = arith.constant 0 : i32
    %dma_wait3A_73 = tpu.memref_slice %arg2[%dma_wait3A_71, %dma_wait3A_72] : memref<32768x256xf32, #tpu.memory_space<hbm>> -> memref<32768x256xf32, #tpu.memory_space<hbm>>
    tpu.wait_indirect_dma semaphore(%arg9 : memref<!tpu.dma_semaphore, #tpu.memory_space<semaphore_mem>>) src(%dma_wait3A_73 : memref<32768x256xf32, #tpu.memory_space<hbm>>) dst(%arg7 : memref<128x256xf32, #tpu.memory_space<vmem>>)
    %add3A_74 = arith.constant 384 : i32
    %add3A_75 = arith.addi %mul3A_2, %add3A_74 : i32
    "tpu.region"() ({
      %run_scoped3A_76 = tpu.sem_alloc : memref<!tpu.dma_semaphore, #tpu.memory_space<semaphore_mem>>
      %dma_start3A_77 = arith.constant 0 : i32
      %dma_start3A_78 = tpu.memref_slice %arg4[%add3A_75, %dma_start3A_77] : memref<16384x256xf32, #tpu.memory_space<hbm>> -> memref<128x256xf32, #tpu.memory_space<hbm>>
      %dma_start3A_79 = arith.constant 0 : i32
      %dma_start3A_80 = tpu.memref_slice %arg4[%add3A_75, %dma_start3A_79] : memref<16384x256xf32, #tpu.memory_space<hbm>> -> memref<128x256xf32, #tpu.memory_space<hbm>>
      tpu.enqueue_dma source(%arg7 : memref<128x256xf32, #tpu.memory_space<vmem>>) target(%dma_start3A_80 : memref<128x256xf32, #tpu.memory_space<hbm>>) target_semaphore(%run_scoped3A_76 : memref<!tpu.dma_semaphore, #tpu.memory_space<semaphore_mem>>)
      %dma_wait3A_81 = arith.constant 0 : i32
      %dma_wait3A_82 = tpu.memref_slice %arg4[%add3A_75, %dma_wait3A_81] : memref<16384x256xf32, #tpu.memory_space<hbm>> -> memref<128x256xf32, #tpu.memory_space<hbm>>
      %dma_wait3A_83 = arith.constant 0 : i32
      %dma_wait3A_84 = tpu.memref_slice %arg4[%add3A_75, %dma_wait3A_83] : memref<16384x256xf32, #tpu.memory_space<hbm>> -> memref<128x256xf32, #tpu.memory_space<hbm>>
      tpu.wait_dma2 semaphore(%run_scoped3A_76 : memref<!tpu.dma_semaphore, #tpu.memory_space<semaphore_mem>>) src(%arg7 : memref<128x256xf32, #tpu.memory_space<vmem>>) dst(%dma_wait3A_84 : memref<128x256xf32, #tpu.memory_space<hbm>>)
      tpu.yield
    }) : () -> ()
    return
  }
}

module attributes {stable_mosaic.version = 14 : i64} {
  func.func @_stage1_kernel(%arg0: i32, %arg1: memref<1x512x256xf32, #tpu.memory_space<vmem>>, %arg2: memref<1x2048x256xf32, #tpu.memory_space<vmem>>, %arg3: memref<256x128xf32, #tpu.memory_space<vmem>>, %arg4: memref<256x128xf32, #tpu.memory_space<vmem>>, %arg5: memref<1x128xf32, #tpu.memory_space<vmem>>, %arg6: memref<2x1x1x512xi32, #tpu.memory_space<vmem>>, %arg7: memref<1x1x512xf32, #tpu.memory_space<vmem>>) attributes {dimension_semantics = [#tpu.dimension_semantics<arbitrary>], iteration_bounds = array<i64: 16>, scalar_prefetch = 0 : i64, scratch_operands = 0 : i64, tpu.core_type = #tpu.core_type<tc>, window_params = [{transform_indices = @transform_0, window_bounds = array<i64: 1, 512, 256>}, {transform_indices = @transform_1, window_bounds = array<i64: 1, 2048, 256>}, {pipeline_mode = #tpu.pipeline_mode<synchronous>, transform_indices = @transform_2, window_bounds = array<i64: 256, 128>}, {pipeline_mode = #tpu.pipeline_mode<synchronous>, transform_indices = @transform_3, window_bounds = array<i64: 256, 128>}, {pipeline_mode = #tpu.pipeline_mode<synchronous>, transform_indices = @transform_4, window_bounds = array<i64: 1, 128>}, {transform_indices = @transform_5, window_bounds = array<i64: 2, 1, 1, 512>}, {transform_indices = @transform_6, window_bounds = array<i64: 1, 1, 512>}]} {
    %sqrt3A = arith.constant 1.280000e+02 : f32
    %sqrt3A_0 = math.sqrt %sqrt3A : f32
    %div3A = arith.constant 1.000000e+00 : f32
    %div3A_1 = arith.divf %div3A, %sqrt3A_0 : f32
    %get3A = arith.constant 0 : index
    %get3A_2 = arith.constant 0 : index
    %get3A_3 = arith.constant 0 : index
    %get3A_4 = vector.load %arg1[%get3A, %get3A_2, %get3A_3] : memref<1x512x256xf32, #tpu.memory_space<vmem>>, vector<1x512x256xf32>
    %get3A_5 = vector.shape_cast %get3A_4 : vector<1x512x256xf32> to vector<512x256xf32>
    %get3A_6 = arith.constant 0 : index
    %get3A_7 = arith.constant 0 : index
    %get3A_8 = arith.constant 0 : index
    %get3A_9 = vector.load %arg2[%get3A_6, %get3A_7, %get3A_8] : memref<1x2048x256xf32, #tpu.memory_space<vmem>>, vector<1x2048x256xf32>
    %get3A_10 = vector.shape_cast %get3A_9 : vector<1x2048x256xf32> to vector<2048x256xf32>
    %get3A_11 = arith.constant 0 : index
    %get3A_12 = arith.constant 0 : index
    %get3A_13 = vector.load %arg3[%get3A_11, %get3A_12] : memref<256x128xf32, #tpu.memory_space<vmem>>, vector<256x128xf32>
    %dot_general3A = arith.constant dense<0.000000e+00> : vector<512x128xf32>
    %dot_general3A_14 = tpu.matmul %get3A_5, %get3A_13, %dot_general3A {dimension_numbers = #tpu.dot_dimension_numbers<[1], [0], [0], [1], [0, 0, 1, 1], [], []>, transpose_lhs_hint = false} : vector<512x256xf32>, vector<256x128xf32>, vector<512x128xf32> -> vector<512x128xf32>
    %get3A_15 = arith.constant 0 : index
    %get3A_16 = arith.constant 0 : index
    %get3A_17 = vector.load %arg4[%get3A_15, %get3A_16] : memref<256x128xf32, #tpu.memory_space<vmem>>, vector<256x128xf32>
    %dot_general3A_18 = arith.constant dense<0.000000e+00> : vector<2048x128xf32>
    %dot_general3A_19 = tpu.matmul %get3A_10, %get3A_17, %dot_general3A_18 {dimension_numbers = #tpu.dot_dimension_numbers<[1], [0], [0], [1], [0, 0, 1, 1], [], []>, transpose_lhs_hint = false} : vector<2048x256xf32>, vector<256x128xf32>, vector<2048x128xf32> -> vector<2048x128xf32>
    %dot_general3A_20 = arith.constant dense<0.000000e+00> : vector<512x2048xf32>
    %dot_general3A_21 = tpu.matmul %dot_general3A_14, %dot_general3A_19, %dot_general3A_20 {dimension_numbers = #tpu.dot_dimension_numbers<[1], [1], [0], [0], [0, 0, 1, 0], [], []>, transpose_lhs_hint = false} : vector<512x128xf32>, vector<2048x128xf32>, vector<512x2048xf32> -> vector<512x2048xf32>
    %mul3A = vector.broadcast %div3A_1 : f32 to vector<512x2048xf32>
    %mul3A_22 = arith.mulf %dot_general3A_21, %mul3A : vector<512x2048xf32>
    %reduce_max3A = arith.constant dense<0xFF800000> : vector<512xf32>
    %reduce_max3A_23 = vector.multi_reduction <maximumf>, %mul3A_22, %reduce_max3A [1] : vector<512x2048xf32> to vector<512xf32>
    %broadcast_in_dim3A = vector.shape_cast %reduce_max3A_23 : vector<512xf32> to vector<512x1xf32>
    %sub3A = vector.broadcast %broadcast_in_dim3A : vector<512x1xf32> to vector<512x2048xf32>
    %sub3A_24 = arith.subf %mul3A_22, %sub3A : vector<512x2048xf32>
    %exp3A = math.exp %sub3A_24 : vector<512x2048xf32>
    %reduce_sum3A = arith.constant dense<0.000000e+00> : vector<512xf32>
    %reduce_sum3A_25 = vector.multi_reduction <add>, %exp3A, %reduce_sum3A [1] : vector<512x2048xf32> to vector<512xf32>
    %broadcast_in_dim3A_26 = vector.shape_cast %reduce_sum3A_25 : vector<512xf32> to vector<512x1xf32>
    %div3A_27 = vector.broadcast %broadcast_in_dim3A_26 : vector<512x1xf32> to vector<512x2048xf32>
    %div3A_28 = arith.divf %exp3A, %div3A_27 : vector<512x2048xf32>
    %dot_general3A_29 = arith.constant dense<0.000000e+00> : vector<512x128xf32>
    %dot_general3A_30 = tpu.matmul %div3A_28, %dot_general3A_19, %dot_general3A_29 {dimension_numbers = #tpu.dot_dimension_numbers<[1], [0], [0], [1], [0, 0, 1, 1], [], []>, transpose_lhs_hint = false} : vector<512x2048xf32>, vector<2048x128xf32>, vector<512x128xf32> -> vector<512x128xf32>
    %get3A_31 = arith.constant 0 : index
    %get3A_32 = arith.constant 0 : index
    %get3A_33 = vector.load %arg5[%get3A_31, %get3A_32] : memref<1x128xf32, #tpu.memory_space<vmem>>, vector<1x128xf32>
    %dot_general3A_34 = arith.constant dense<0.000000e+00> : vector<1x512xf32>
    %dot_general3A_35 = tpu.matmul %get3A_33, %dot_general3A_30, %dot_general3A_34 {dimension_numbers = #tpu.dot_dimension_numbers<[1], [1], [0], [0], [0, 0, 1, 0], [], []>, transpose_lhs_hint = false} : vector<1x128xf32>, vector<512x128xf32>, vector<1x512xf32> -> vector<1x512xf32>
    %reduce_max3A_36 = arith.constant dense<0xFF800000> : vector<1xf32>
    %reduce_max3A_37 = vector.multi_reduction <maximumf>, %dot_general3A_35, %reduce_max3A_36 [1] : vector<1x512xf32> to vector<1xf32>
    %broadcast_in_dim3A_38 = vector.shape_cast %reduce_max3A_37 : vector<1xf32> to vector<1x1xf32>
    %sub3A_39 = vector.broadcast %broadcast_in_dim3A_38 : vector<1x1xf32> to vector<1x512xf32>
    %sub3A_40 = arith.subf %dot_general3A_35, %sub3A_39 : vector<1x512xf32>
    %exp3A_41 = math.exp %sub3A_40 : vector<1x512xf32>
    %reduce_sum3A_42 = arith.constant dense<0.000000e+00> : vector<1xf32>
    %reduce_sum3A_43 = vector.multi_reduction <add>, %exp3A_41, %reduce_sum3A_42 [1] : vector<1x512xf32> to vector<1xf32>
    %broadcast_in_dim3A_44 = vector.shape_cast %reduce_sum3A_43 : vector<1xf32> to vector<1x1xf32>
    %div3A_45 = vector.broadcast %broadcast_in_dim3A_44 : vector<1x1xf32> to vector<1x512xf32>
    %div3A_46 = arith.divf %exp3A_41, %div3A_45 : vector<1x512xf32>
    %mul3A_47 = arith.constant 2.048000e+03 : f32
    %mul3A_48 = vector.broadcast %mul3A_47 : f32 to vector<1x512xf32>
    %mul3A_49 = arith.mulf %div3A_46, %mul3A_48 : vector<1x512xf32>
    %round3A = math.roundeven %mul3A_49 : vector<1x512xf32>
    %iota3A = tpu.iota {dimensions = array<i32: 0>} : vector<512x512xi32>
    %iota3A_50 = tpu.iota {dimensions = array<i32: 1>} : vector<512x512xi32>
    %le3A = arith.cmpi sle, %iota3A, %iota3A_50 : vector<512x512xi32>
    %convert_element_type3A = arith.extui %le3A : vector<512x512xi1> to vector<512x512xi32>
    %convert_element_type3A_51 = arith.sitofp %convert_element_type3A : vector<512x512xi32> to vector<512x512xf32>
    %dot_general3A_52 = arith.constant dense<0.000000e+00> : vector<1x512xf32>
    %dot_general3A_53 = tpu.matmul %round3A, %convert_element_type3A_51, %dot_general3A_52 {dimension_numbers = #tpu.dot_dimension_numbers<[1], [0], [0], [1], [0, 0, 1, 1], [], []>, transpose_lhs_hint = false} : vector<1x512xf32>, vector<512x512xf32>, vector<1x512xf32> -> vector<1x512xf32>
    %mul3A_54 = arith.constant 5.000000e-01 : f32
    %mul3A_55 = vector.broadcast %mul3A_54 : f32 to vector<1x512xf32>
    %mul3A_56 = arith.mulf %round3A, %mul3A_55 : vector<1x512xf32>
    %sub3A_57 = arith.subf %dot_general3A_53, %mul3A_56 : vector<1x512xf32>
    %jit3A = arith.constant 0.000000e+00 : f32
    %jit3A_58 = arith.constant 2.047000e+03 : f32
    %max3A = vector.broadcast %jit3A : f32 to vector<1x512xf32>
    %max3A_59 = arith.maximumf %max3A, %sub3A_57 : vector<1x512xf32>
    %min3A = vector.broadcast %jit3A_58 : f32 to vector<1x512xf32>
    %min3A_60 = arith.minimumf %min3A, %max3A_59 : vector<1x512xf32>
    %floor3A = math.floor %min3A_60 : vector<1x512xf32>
    %sub3A_61 = arith.subf %min3A_60, %floor3A : vector<1x512xf32>
    %swap3A = arith.constant 0 : index
    %swap3A_62 = arith.constant 0 : index
    %swap3A_63 = arith.constant 0 : index
    %swap3A_64 = vector.load %arg7[%swap3A, %swap3A_62, %swap3A_63] : memref<1x1x512xf32, #tpu.memory_space<vmem>>, vector<1x1x512xf32>
    %swap3A_65 = vector.shape_cast %swap3A_64 : vector<1x1x512xf32> to vector<1x512xf32>
    %swap3A_66 = vector.shape_cast %sub3A_61 : vector<1x512xf32> to vector<1x1x512xf32>
    tpu.vector_store %arg7[%swap3A, %swap3A_62, %swap3A_63], %swap3A_66 {strides = array<i32>} : memref<1x1x512xf32, #tpu.memory_space<vmem>>, vector<1x1x512xf32>,
    %convert_element_type3A_67 = arith.fptosi %floor3A : vector<1x512xf32> to vector<1x512xi32>
    %add3A = arith.constant 1 : i32
    %add3A_68 = vector.broadcast %add3A : i32 to vector<1x512xi32>
    %add3A_69 = arith.addi %convert_element_type3A_67, %add3A_68 : vector<1x512xi32>
    %min3A_70 = arith.constant 2047 : i32
    %min3A_71 = vector.broadcast %min3A_70 : i32 to vector<1x512xi32>
    %min3A_72 = arith.minsi %add3A_69, %min3A_71 : vector<1x512xi32>
    %mul3A_73 = arith.constant 2048 : i32
    %mul3A_74 = arith.muli %arg0, %mul3A_73 : i32
    %add3A_75 = vector.broadcast %mul3A_74 : i32 to vector<1x512xi32>
    %add3A_76 = arith.addi %convert_element_type3A_67, %add3A_75 : vector<1x512xi32>
    %swap3A_77 = arith.constant 0 : index
    %swap3A_78 = arith.constant 0 : index
    %swap3A_79 = arith.constant 0 : index
    %swap3A_80 = arith.constant 0 : index
    %swap3A_81 = vector.load %arg6[%swap3A_77, %swap3A_78, %swap3A_79, %swap3A_80] : memref<2x1x1x512xi32, #tpu.memory_space<vmem>>, vector<1x1x1x512xi32>
    %swap3A_82 = vector.shape_cast %swap3A_81 : vector<1x1x1x512xi32> to vector<1x512xi32>
    %swap3A_83 = vector.shape_cast %add3A_76 : vector<1x512xi32> to vector<1x1x1x512xi32>
    tpu.vector_store %arg6[%swap3A_77, %swap3A_78, %swap3A_79, %swap3A_80], %swap3A_83 {strides = array<i32>} : memref<2x1x1x512xi32, #tpu.memory_space<vmem>>, vector<1x1x1x512xi32>,
    %mul3A_84 = arith.constant 2048 : i32
    %mul3A_85 = arith.muli %arg0, %mul3A_84 : i32
    %add3A_86 = vector.broadcast %mul3A_85 : i32 to vector<1x512xi32>
    %add3A_87 = arith.addi %min3A_72, %add3A_86 : vector<1x512xi32>
    %swap3A_88 = arith.constant 1 : index
    %swap3A_89 = arith.constant 0 : index
    %swap3A_90 = arith.constant 0 : index
    %swap3A_91 = arith.constant 0 : index
    %swap3A_92 = vector.load %arg6[%swap3A_88, %swap3A_89, %swap3A_90, %swap3A_91] : memref<2x1x1x512xi32, #tpu.memory_space<vmem>>, vector<1x1x1x512xi32>
    %swap3A_93 = vector.shape_cast %swap3A_92 : vector<1x1x1x512xi32> to vector<1x512xi32>
    %swap3A_94 = vector.shape_cast %add3A_87 : vector<1x512xi32> to vector<1x1x1x512xi32>
    tpu.vector_store %arg6[%swap3A_88, %swap3A_89, %swap3A_90, %swap3A_91], %swap3A_94 {strides = array<i32>} : memref<2x1x1x512xi32, #tpu.memory_space<vmem>>, vector<1x1x1x512xi32>,
    return
  }
  func.func @transform_0(%arg0: i32) -> (i32, i32, i32) {
    %c0_i32 = arith.constant 0 : i32
    %c0_i32_0 = arith.constant 0 : i32
    %c0_i32_1 = arith.constant 0 : i32
    return %arg0, %c0_i32, %c0_i32_0 : i32, i32, i32
  }
  func.func @transform_1(%arg0: i32) -> (i32, i32, i32) {
    %c0_i32 = arith.constant 0 : i32
    %c0_i32_0 = arith.constant 0 : i32
    %c0_i32_1 = arith.constant 0 : i32
    return %arg0, %c0_i32, %c0_i32_0 : i32, i32, i32
  }
  func.func @transform_2(%arg0: i32) -> (i32, i32) {
    %c0_i32 = arith.constant 0 : i32
    %c0_i32_0 = arith.constant 0 : i32
    %c0_i32_1 = arith.constant 0 : i32
    return %c0_i32, %c0_i32_0 : i32, i32
  }
  func.func @transform_3(%arg0: i32) -> (i32, i32) {
    %c0_i32 = arith.constant 0 : i32
    %c0_i32_0 = arith.constant 0 : i32
    %c0_i32_1 = arith.constant 0 : i32
    return %c0_i32, %c0_i32_0 : i32, i32
  }
  func.func @transform_4(%arg0: i32) -> (i32, i32) {
    %c0_i32 = arith.constant 0 : i32
    %c0_i32_0 = arith.constant 0 : i32
    %c0_i32_1 = arith.constant 0 : i32
    return %c0_i32, %c0_i32_0 : i32, i32
  }
  func.func @transform_5(%arg0: i32) -> (i32, i32, i32, i32) {
    %c0_i32 = arith.constant 0 : i32
    %c0_i32_0 = arith.constant 0 : i32
    %c0_i32_1 = arith.constant 0 : i32
    %c0_i32_2 = arith.constant 0 : i32
    return %c0_i32, %arg0, %c0_i32_0, %c0_i32_1 : i32, i32, i32, i32
  }
  func.func @transform_6(%arg0: i32) -> (i32, i32, i32) {
    %c0_i32 = arith.constant 0 : i32
    %c0_i32_0 = arith.constant 0 : i32
    %c0_i32_1 = arith.constant 0 : i32
    return %arg0, %c0_i32, %c0_i32_0 : i32, i32, i32
  }
}

module attributes {stable_mosaic.version = 14 : i64} {
  func.func @_stage3_kernel(%arg0: i32, %arg1: memref<1x512x256xf32, #tpu.memory_space<vmem>>, %arg2: memref<2x1x512x256xf32, #tpu.memory_space<vmem>>, %arg3: memref<1x1x512xf32, #tpu.memory_space<vmem>>, %arg4: memref<256x128xf32, #tpu.memory_space<vmem>>, %arg5: memref<256x128xf32, #tpu.memory_space<vmem>>, %arg6: memref<1x512x512xf32, #tpu.memory_space<vmem>>, %arg7: memref<1x512x512xf32, #tpu.memory_space<vmem>>, %arg8: memref<1x512x256xf32, #tpu.memory_space<vmem>>) attributes {dimension_semantics = [#tpu.dimension_semantics<arbitrary>], iteration_bounds = array<i64: 16>, scalar_prefetch = 0 : i64, scratch_operands = 0 : i64, tpu.core_type = #tpu.core_type<tc>, window_params = [{transform_indices = @transform_0, window_bounds = array<i64: 1, 512, 256>}, {transform_indices = @transform_1, window_bounds = array<i64: 2, 1, 512, 256>}, {transform_indices = @transform_2, window_bounds = array<i64: 1, 1, 512>}, {pipeline_mode = #tpu.pipeline_mode<synchronous>, transform_indices = @transform_3, window_bounds = array<i64: 256, 128>}, {pipeline_mode = #tpu.pipeline_mode<synchronous>, transform_indices = @transform_4, window_bounds = array<i64: 256, 128>}, {transform_indices = @transform_5, window_bounds = array<i64: 1, 512, 512>}, {transform_indices = @transform_6, window_bounds = array<i64: 1, 512, 512>}, {transform_indices = @transform_7, window_bounds = array<i64: 1, 512, 256>}]} {
    %sqrt3A = arith.constant 1.280000e+02 : f32
    %sqrt3A_0 = math.sqrt %sqrt3A : f32
    %div3A = arith.constant 1.000000e+00 : f32
    %div3A_1 = arith.divf %div3A, %sqrt3A_0 : f32
    %get3A = arith.constant 0 : index
    %get3A_2 = arith.constant 0 : index
    %get3A_3 = arith.constant 0 : index
    %get3A_4 = vector.load %arg1[%get3A, %get3A_2, %get3A_3] : memref<1x512x256xf32, #tpu.memory_space<vmem>>, vector<1x512x256xf32>
    %get3A_5 = vector.shape_cast %get3A_4 : vector<1x512x256xf32> to vector<512x256xf32>
    %get3A_6 = arith.constant 0 : index
    %get3A_7 = arith.constant 0 : index
    %get3A_8 = arith.constant 0 : index
    %get3A_9 = vector.load %arg3[%get3A_6, %get3A_7, %get3A_8] : memref<1x1x512xf32, #tpu.memory_space<vmem>>, vector<1x1x512xf32>
    %get3A_10 = vector.shape_cast %get3A_9 : vector<1x1x512xf32> to vector<1x512xf32>
    %transpose3A = tpu.transpose %get3A_10, [1, 0] : vector<1x512xf32> -> vector<512x1xf32>
    %get3A_11 = arith.constant 0 : index
    %get3A_12 = arith.constant 0 : index
    %get3A_13 = arith.constant 0 : index
    %get3A_14 = arith.constant 0 : index
    %get3A_15 = vector.load %arg2[%get3A_11, %get3A_12, %get3A_13, %get3A_14] : memref<2x1x512x256xf32, #tpu.memory_space<vmem>>, vector<1x1x512x256xf32>
    %get3A_16 = vector.shape_cast %get3A_15 : vector<1x1x512x256xf32> to vector<512x256xf32>
    %sub3A = arith.constant 1.000000e+00 : f32
    %sub3A_17 = vector.broadcast %sub3A : f32 to vector<512x1xf32>
    %sub3A_18 = arith.subf %sub3A_17, %transpose3A : vector<512x1xf32>
    %mul3A = vector.broadcast %sub3A_18 : vector<512x1xf32> to vector<512x256xf32>
    %mul3A_19 = arith.mulf %get3A_16, %mul3A : vector<512x256xf32>
    %get3A_20 = arith.constant 1 : index
    %get3A_21 = arith.constant 0 : index
    %get3A_22 = arith.constant 0 : index
    %get3A_23 = arith.constant 0 : index
    %get3A_24 = vector.load %arg2[%get3A_20, %get3A_21, %get3A_22, %get3A_23] : memref<2x1x512x256xf32, #tpu.memory_space<vmem>>, vector<1x1x512x256xf32>
    %get3A_25 = vector.shape_cast %get3A_24 : vector<1x1x512x256xf32> to vector<512x256xf32>
    %mul3A_26 = vector.broadcast %transpose3A : vector<512x1xf32> to vector<512x256xf32>
    %mul3A_27 = arith.mulf %get3A_25, %mul3A_26 : vector<512x256xf32>
    %add3A = arith.addf %mul3A_19, %mul3A_27 : vector<512x256xf32>
    %get3A_28 = arith.constant 0 : index
    %get3A_29 = arith.constant 0 : index
    %get3A_30 = vector.load %arg5[%get3A_28, %get3A_29] : memref<256x128xf32, #tpu.memory_space<vmem>>, vector<256x128xf32>
    %dot_general3A = arith.constant dense<0.000000e+00> : vector<512x128xf32>
    %dot_general3A_31 = tpu.matmul %add3A, %get3A_30, %dot_general3A {dimension_numbers = #tpu.dot_dimension_numbers<[1], [0], [0], [1], [0, 0, 1, 1], [], []>, transpose_lhs_hint = false} : vector<512x256xf32>, vector<256x128xf32>, vector<512x128xf32> -> vector<512x128xf32>
    %get3A_32 = arith.constant 0 : index
    %get3A_33 = arith.constant 0 : index
    %get3A_34 = vector.load %arg4[%get3A_32, %get3A_33] : memref<256x128xf32, #tpu.memory_space<vmem>>, vector<256x128xf32>
    %dot_general3A_35 = arith.constant dense<0.000000e+00> : vector<512x128xf32>
    %dot_general3A_36 = tpu.matmul %get3A_5, %get3A_34, %dot_general3A_35 {dimension_numbers = #tpu.dot_dimension_numbers<[1], [0], [0], [1], [0, 0, 1, 1], [], []>, transpose_lhs_hint = false} : vector<512x256xf32>, vector<256x128xf32>, vector<512x128xf32> -> vector<512x128xf32>
    %dot_general3A_37 = arith.constant dense<0.000000e+00> : vector<512x512xf32>
    %dot_general3A_38 = tpu.matmul %dot_general3A_36, %dot_general3A_31, %dot_general3A_37 {dimension_numbers = #tpu.dot_dimension_numbers<[1], [1], [0], [0], [0, 0, 1, 0], [], []>, transpose_lhs_hint = false} : vector<512x128xf32>, vector<512x128xf32>, vector<512x512xf32> -> vector<512x512xf32>
    %mul3A_39 = vector.broadcast %div3A_1 : f32 to vector<512x512xf32>
    %mul3A_40 = arith.mulf %dot_general3A_38, %mul3A_39 : vector<512x512xf32>
    %reduce_max3A = arith.constant dense<0xFF800000> : vector<512xf32>
    %reduce_max3A_41 = vector.multi_reduction <maximumf>, %mul3A_40, %reduce_max3A [1] : vector<512x512xf32> to vector<512xf32>
    %broadcast_in_dim3A = vector.shape_cast %reduce_max3A_41 : vector<512xf32> to vector<512x1xf32>
    %sub3A_42 = vector.broadcast %broadcast_in_dim3A : vector<512x1xf32> to vector<512x512xf32>
    %sub3A_43 = arith.subf %mul3A_40, %sub3A_42 : vector<512x512xf32>
    %exp3A = math.exp %sub3A_43 : vector<512x512xf32>
    %reduce_sum3A = arith.constant dense<0.000000e+00> : vector<512xf32>
    %reduce_sum3A_44 = vector.multi_reduction <add>, %exp3A, %reduce_sum3A [1] : vector<512x512xf32> to vector<512xf32>
    %broadcast_in_dim3A_45 = vector.shape_cast %reduce_sum3A_44 : vector<512xf32> to vector<512x1xf32>
    %div3A_46 = vector.broadcast %broadcast_in_dim3A_45 : vector<512x1xf32> to vector<512x512xf32>
    %div3A_47 = arith.divf %exp3A, %div3A_46 : vector<512x512xf32>
    %iota3A = tpu.iota {dimensions = array<i32: 1>} : vector<512x512xi32>
    %eq3A = vector.broadcast %broadcast_in_dim3A : vector<512x1xf32> to vector<512x512xf32>
    %eq3A_48 = arith.cmpf oeq, %mul3A_40, %eq3A : vector<512x512xf32>
    %jit3A = arith.constant 512 : i32
    %broadcast_in_dim3A_49 = vector.broadcast %jit3A : i32 to vector<512x512xi32>
    %select_n3A = arith.select %eq3A_48, %iota3A, %broadcast_in_dim3A_49 : vector<512x512xi1>, vector<512x512xi32>
    %reduce_min3A = arith.constant dense<2147483647> : vector<512xi32>
    %reduce_min3A_50 = vector.multi_reduction <minsi>, %select_n3A, %reduce_min3A [1] : vector<512x512xi32> to vector<512xi32>
    %broadcast_in_dim3A_51 = vector.shape_cast %reduce_min3A_50 : vector<512xi32> to vector<512x1xi32>
    %eq3A_52 = vector.broadcast %broadcast_in_dim3A_51 : vector<512x1xi32> to vector<512x512xi32>
    %eq3A_53 = arith.cmpi eq, %iota3A, %eq3A_52 : vector<512x512xi32>
    %convert_element_type3A = arith.extui %eq3A_53 : vector<512x512xi1> to vector<512x512xi32>
    %convert_element_type3A_54 = arith.sitofp %convert_element_type3A : vector<512x512xi32> to vector<512x512xf32>
    %swap3A = arith.constant 0 : index
    %swap3A_55 = arith.constant 0 : index
    %swap3A_56 = arith.constant 0 : index
    %swap3A_57 = vector.load %arg6[%swap3A, %swap3A_55, %swap3A_56] : memref<1x512x512xf32, #tpu.memory_space<vmem>>, vector<1x512x512xf32>
    %swap3A_58 = vector.shape_cast %swap3A_57 : vector<1x512x512xf32> to vector<512x512xf32>
    %swap3A_59 = vector.shape_cast %div3A_47 : vector<512x512xf32> to vector<1x512x512xf32>
    tpu.vector_store %arg6[%swap3A, %swap3A_55, %swap3A_56], %swap3A_59 {strides = array<i32>} : memref<1x512x512xf32, #tpu.memory_space<vmem>>, vector<1x512x512xf32>,
    %swap3A_60 = arith.constant 0 : index
    %swap3A_61 = arith.constant 0 : index
    %swap3A_62 = arith.constant 0 : index
    %swap3A_63 = vector.load %arg7[%swap3A_60, %swap3A_61, %swap3A_62] : memref<1x512x512xf32, #tpu.memory_space<vmem>>, vector<1x512x512xf32>
    %swap3A_64 = vector.shape_cast %swap3A_63 : vector<1x512x512xf32> to vector<512x512xf32>
    %swap3A_65 = vector.shape_cast %convert_element_type3A_54 : vector<512x512xf32> to vector<1x512x512xf32>
    tpu.vector_store %arg7[%swap3A_60, %swap3A_61, %swap3A_62], %swap3A_65 {strides = array<i32>} : memref<1x512x512xf32, #tpu.memory_space<vmem>>, vector<1x512x512xf32>,
    %dot_general3A_66 = arith.constant dense<0.000000e+00> : vector<512x256xf32>
    %dot_general3A_67 = tpu.matmul %div3A_47, %get3A_5, %dot_general3A_66 {dimension_numbers = #tpu.dot_dimension_numbers<[0], [0], [1], [1], [0, 1, 1, 1], [], []>, transpose_lhs_hint = false} : vector<512x512xf32>, vector<512x256xf32>, vector<512x256xf32> -> vector<512x256xf32>
    %swap3A_68 = arith.constant 0 : index
    %swap3A_69 = arith.constant 0 : index
    %swap3A_70 = arith.constant 0 : index
    %swap3A_71 = vector.load %arg8[%swap3A_68, %swap3A_69, %swap3A_70] : memref<1x512x256xf32, #tpu.memory_space<vmem>>, vector<1x512x256xf32>
    %swap3A_72 = vector.shape_cast %swap3A_71 : vector<1x512x256xf32> to vector<512x256xf32>
    %swap3A_73 = vector.shape_cast %dot_general3A_67 : vector<512x256xf32> to vector<1x512x256xf32>
    tpu.vector_store %arg8[%swap3A_68, %swap3A_69, %swap3A_70], %swap3A_73 {strides = array<i32>} : memref<1x512x256xf32, #tpu.memory_space<vmem>>, vector<1x512x256xf32>,
    return
  }
  func.func @transform_0(%arg0: i32) -> (i32, i32, i32) {
    %c0_i32 = arith.constant 0 : i32
    %c0_i32_0 = arith.constant 0 : i32
    %c0_i32_1 = arith.constant 0 : i32
    return %arg0, %c0_i32, %c0_i32_0 : i32, i32, i32
  }
  func.func @transform_1(%arg0: i32) -> (i32, i32, i32, i32) {
    %c0_i32 = arith.constant 0 : i32
    %c0_i32_0 = arith.constant 0 : i32
    %c0_i32_1 = arith.constant 0 : i32
    %c0_i32_2 = arith.constant 0 : i32
    return %c0_i32, %arg0, %c0_i32_0, %c0_i32_1 : i32, i32, i32, i32
  }
  func.func @transform_2(%arg0: i32) -> (i32, i32, i32) {
    %c0_i32 = arith.constant 0 : i32
    %c0_i32_0 = arith.constant 0 : i32
    %c0_i32_1 = arith.constant 0 : i32
    return %arg0, %c0_i32, %c0_i32_0 : i32, i32, i32
  }
  func.func @transform_3(%arg0: i32) -> (i32, i32) {
    %c0_i32 = arith.constant 0 : i32
    %c0_i32_0 = arith.constant 0 : i32
    %c0_i32_1 = arith.constant 0 : i32
    return %c0_i32, %c0_i32_0 : i32, i32
  }
  func.func @transform_4(%arg0: i32) -> (i32, i32) {
    %c0_i32 = arith.constant 0 : i32
    %c0_i32_0 = arith.constant 0 : i32
    %c0_i32_1 = arith.constant 0 : i32
    return %c0_i32, %c0_i32_0 : i32, i32
  }
  func.func @transform_5(%arg0: i32) -> (i32, i32, i32) {
    %c0_i32 = arith.constant 0 : i32
    %c0_i32_0 = arith.constant 0 : i32
    %c0_i32_1 = arith.constant 0 : i32
    return %arg0, %c0_i32, %c0_i32_0 : i32, i32, i32
  }
  func.func @transform_6(%arg0: i32) -> (i32, i32, i32) {
    %c0_i32 = arith.constant 0 : i32
    %c0_i32_0 = arith.constant 0 : i32
    %c0_i32_1 = arith.constant 0 : i32
    return %arg0, %c0_i32, %c0_i32_0 : i32, i32, i32
  }
  func.func @transform_7(%arg0: i32) -> (i32, i32, i32) {
    %c0_i32 = arith.constant 0 : i32
    %c0_i32_0 = arith.constant 0 : i32
    %c0_i32_1 = arith.constant 0 : i32
    return %arg0, %c0_i32, %c0_i32_0 : i32, i32, i32
  }
}

</mosaic_0001>

<sc_bundles>
// kernel: _run.5.cloned.1.call-start
scs
__scs_entry_jumppad:
0x0: {  	(pc) =	sbr.rel $0x88, $3  }
0x1: {  	(tag) =	ssettag $0x0;
	lr =	simm.s32 $0x1  }
0x2: {  	[smem:$0x3F9A] =	sst lr;
	_ =	strace $0xD0000000  }
0x3: {  	_ = 	snop  }
0x4: {  	_ = 	snop  }
0x5: {  	_ = 	snop  }
0x6: {  	_ = 	snop  }
0x7: {  	_ = 	snop  }
__scs_overlays_trampoline_lowered:
0x8: {  	[smem:$0x3FA9] =	sst s0  }
0x9: {  	[smem:$0x3FAA] =	sst s1  }
0xa: {  	[smem:$0x3FAB] =	sst s2  }
0xb: {  	[smem:$0x3FAC] =	sst s3  }
0xc: {  	[smem:$0x3FAD] =	sst s4  }
0xd: {  	[smem:$0x3FAE] =	sst s5  }
0xe: {  	[smem:$0x3FAF] =	sst s6  }
0xf: {  	[smem:$0x3FB0] =	sst s7  }
0x10: {  	[smem:$0x3FB1] =	sst s8  }
0x11: {  	[smem:$0x3FB2] =	sst s9;
	s0 =	simm.s32 @!p0 $0x0  }
0x12: {  	s1 =	sld [smem:$0x3F98];
	s0 =	simm.s32 @p0 $0x1  }
0x13: {  	[smem:$0x3FB3] =	sst s0;
	s0 =	simm.s32 @!p1 $0x0  }
0x14: {  	s2 =	sld [smem:$0x3F97];
	s0 =	simm.s32 @p1 $0x1  }
0x15: {  	[smem:$0x3FB4] =	sst s0;
	s0 =	simm.s32 @!p2 $0x0  }
0x16: {  	s3 =	sld [smem:$0x3FDB];
	s0 =	simm.s32 @p2 $0x1  }
0x17: {  	s4 =	simm.s32 $0x1BF5;
	[smem:$0x3FB6] =	sst s0  }
0x18: {  	s0 =	sld [smem:$0x3F99];
	_ =	swait.ge [sflag:s4], $0x0  }
0x19: {  	s7 =	sld [smem:$0x3F9A]  }
0x1a: {  	s8 =	sadd.s32 $0xFFFFE003, lr  }
0x1b: {  	s9 =	sadd.s32 $0xFFFFFEF7, lr;
	s5 =	simm.s32 $0xFFFFFFFF;
	p2 =	slt.u32 s8, $0xFFFFF086  }
0x1c: {  	p1 =	slt.u32 s9, $0xF7A;
	s5 =	simm.s32 @!p2 $0x0  }
0x1d: {  	s5 =	simm.s32 @p1 $0x1;
	p0 =	seq.s32 s7, s2  }
0x1e: {  	s7 =	smul.u32 @!p0 $0xF7A, s2;
	p2 =	seq.s32 @!p0 s5, $0x0  }
0x1f: {  	s9 =	smul.u32 $0xF7A, s1;
	s8 =	simm.s32 @!p0 $0x1BF5;
	p2 =	por !p2, p0  }
0x20: {  	[sflag:s8] =	ssyncset.s32 @!p0 $0xFFFFF086;
	s6 =	sadd.s32 @!p0 s3, s7;
	s7 =	simm.s32 @!p0 $0x108  }
0x21: {  	s3 =	sadd.s32 s3, s9;
	s6 =	sadd.s32 @!p0 $0x88, s6;
	s7 =	simm.s32 @p2 $0x1082  }
0x22: {  	[simem:s7], [sflag:s8] =	dma.local @!p0 [hbm:s6], $0xF7A  }
0x23: {  	s9 =	sor.u32 $0xD0000000, s2;
	s6 =	simm.s32 $0x108;
	_ =	swait.ge @!p0 [sflag:s8], $0x0  }
0x24: {  	s3 =	sadd.s32 $0x88, s3;
	s6 =	simm.s32 @!p1 $0x1082;
	[sflag:s4] =	ssyncset.s32 $0xFFFFF086  }
0x25: {  	[simem:s6], [sflag:s4] =	dma.local [hbm:s3], $0xF7A  }
0x26: {  	[smem:$0x3F9A] =	sst s1;
	(tag) =	ssettag s2;
	_ =	strace s9  }
0x27: {  	s1 =	sld [smem:$0x3FAA]  }
0x28: {  	s2 =	sld [smem:$0x3FAB]  }
0x29: {  	s4 =	sld [smem:$0x3FAD]  }
0x2a: {  	p0 =	seq.s32 s5, $0x0;
	s5 =	sld [smem:$0x3FAE]  }
0x2b: {  	s6 =	sld [smem:$0x3FAF]  }
0x2c: {  	s7 =	sld [smem:$0x3FB0]  }
0x2d: {  	s3 =	simm.s32 $0x108;
	s8 =	sld [smem:$0x3FB1]  }
0x2e: {  	s3 =	simm.s32 @!p0 $0x1082;
	s9 =	sld [smem:$0x3FB2]  }
0x2f: {  	lr =	sadd.s32 s0, s3;
	s0 =	sld [smem:$0x3FA9]  }
0x30: {  	s3 =	sld [smem:$0x3FAC]  }
0x31: {  	[smem:$0x3FB5] =	sst s10  }
0x32: {  	s10 =	sld [smem:$0x3FB3];
	_ =	sdelay $0x3  }
0x33: {  	p0 =	seq.s32 s10, $0x1;
	s10 =	sld [smem:$0x3FB5];
	_ =	sdelay $0x3  }
0x34: {  	[smem:$0x3FB5] =	sst s10  }
0x35: {  	s10 =	sld [smem:$0x3FB4];
	_ =	sdelay $0x3  }
0x36: {  	p1 =	seq.s32 s10, $0x1;
	s10 =	sld [smem:$0x3FB5];
	_ =	sdelay $0x3  }
0x37: {  	[smem:$0x3FB5] =	sst s10  }
0x38: {  	s10 =	sld [smem:$0x3FB6]  }
0x39: {  	_ = 	snop;
	(pc) =	sbr.ind lr, $3  }
0x3a: {  	_ = 	snop  }
0x3b: {  	_ = 	snop  }
0x3c: {  	p2 =	seq.s32 s10, $0x1;
	s10 =	sld [smem:$0x3FB5]  }
0x3d: {  	_ =	shalt  }
0x3e: {  	_ =	shalt  }
0x3f: {  	_ =	shalt  }
0x40: {  	_ =	shalt  }
0x41: {  	_ =	shalt  }
0x42: {  	_ =	shalt  }
0x43: {  	_ =	shalt  }
0x44: {  	_ =	shalt  }
0x45: {  	_ =	shalt  }
0x46: {  	_ =	shalt  }
0x47: {  	_ =	shalt  }
0x48: {  	_ =	shalt  }
0x49: {  	_ =	shalt  }
0x4a: {  	_ =	shalt  }
0x4b: {  	_ =	shalt  }
0x4c: {  	_ =	shalt  }
0x4d: {  	_ =	shalt  }
0x4e: {  	_ =	shalt  }
0x4f: {  	_ =	shalt  }
0x50: {  	_ =	shalt  }
0x51: {  	_ =	shalt  }
0x52: {  	_ =	shalt  }
0x53: {  	_ =	shalt  }
0x54: {  	_ =	shalt  }
0x55: {  	_ =	shalt  }
0x56: {  	_ =	shalt  }
0x57: {  	_ =	shalt  }
0x58: {  	_ =	shalt  }
0x59: {  	_ =	shalt  }
0x5a: {  	_ =	shalt  }
0x5b: {  	_ =	shalt  }
0x5c: {  	_ =	shalt  }
0x5d: {  	_ =	shalt  }
0x5e: {  	_ =	shalt  }
0x5f: {  	_ =	shalt  }
0x60: {  	_ =	shalt  }
0x61: {  	_ =	shalt  }
0x62: {  	_ =	shalt  }
0x63: {  	_ =	shalt  }
0x64: {  	_ =	shalt  }
0x65: {  	_ =	shalt  }
0x66: {  	_ =	shalt  }
0x67: {  	_ =	shalt  }
0x68: {  	_ =	shalt  }
0x69: {  	_ =	shalt  }
0x6a: {  	_ =	shalt  }
0x6b: {  	_ =	shalt  }
0x6c: {  	_ =	shalt  }
0x6d: {  	_ =	shalt  }
0x6e: {  	_ =	shalt  }
0x6f: {  	_ =	shalt  }
0x70: {  	_ =	shalt  }
0x71: {  	_ =	shalt  }
0x72: {  	_ =	shalt  }
0x73: {  	_ =	shalt  }
0x74: {  	_ =	shalt  }
0x75: {  	_ =	shalt  }
0x76: {  	_ =	shalt  }
0x77: {  	_ =	shalt  }
0x78: {  	_ =	shalt  }
0x79: {  	_ =	shalt  }
0x7a: {  	_ =	shalt  }
0x7b: {  	_ =	shalt  }
0x7c: {  	_ =	shalt  }
0x7d: {  	_ =	shalt  }
0x7e: {  	_ =	shalt  }
0x7f: {  	_ =	shalt  }
0x80: {  	_ =	shalt  }
0x81: {  	_ =	shalt  }
0x82: {  	_ =	shalt  }
0x83: {  	_ =	shalt  }
0x84: {  	_ =	shalt  }
0x85: {  	_ =	shalt  }
0x86: {  	_ =	shalt  }
0x87: {  	_ =	shalt  }
.Lfunc_end0:
.L_simem_size_0:
called_computation_lowered:
.L_overlay_start_0:
0x88: {  	s2 =	sld [smem:$0x3FD9]  }
0x89: {  	s3 =	sld [smem:$0x3FFE];
	_ =	sdelay $0x1  }
0x8a: {  	s1 =	srdreg.scid  }
0x8b: {  	s0 =	sand.u32 $0x1, s1  }
0x8c: {  	s14 =	sshll.u32 s0, $0xA;
	s2 =	sadd.s32 s3, s2  }
0x8d: {  	s2 =	sadd.s32 s2, s14  }
0x8e: {  	[smem:$0x3FC1] =	sst s2  }
0x8f: {  	_ = 	snop  }
0x90: {  	s2 =	sld [smem:$0x3FD0];
	_ =	sdelay $0x2  }
0x91: {  	s4 =	simm.s32 $0xA;
	s5 =	simm.s32 $0x10;
	s15 =	sld [smem:$0x3FC8]  }
0x92: {  	[smem:s5], [sflag:s4] =	dma.local [hbm:s2], $0x1  }
0x93: {  	_ =	swait.eq [sflag:s4], $0x1  }
0x94: {  	[sflag:s4] =	ssyncset.done $0x0  }
0x95: {  	[sflag:s4] =	ssyncadd.s32 $0xFFFFFFFF  }
0x96: {  	s16 =	sld [smem:$0x12];
	(tm) =	ssettm $0x1  }
0x97: {  	s17 =	sld [smem:$0x3FFB];
	_ =	sdelay $0x3  }
0x98: {  	_ =	strace s17  }
0x99: {  	s4 =	sld [smem:$0x3FFC];
	_ =	sdelay $0x3  }
0x9a: {  	_ =	strace s4  }
0x9b: {  	s4 =	sld [smem:$0x3FFD];
	_ =	sdelay $0x3  }
0x9c: {  	_ =	strace s4  }
0x9d: {  	_ =	strace $0x8FFFFFFF  }
0x9e: {  	s18 =	sld [smem:$0x3FDB];
	_ =	sdelay $0x1  }
0x9f: {  	s19 =	simm.s32 $_scs_section_size  }
0xa0: {  	s6 =	simm.s32 $_size__tile_overlayer_lowered;
	s7 =	simm.s32 $_tile_overlayer_lowered  }
0xa1: {  	s22 =	simm.s32 $0x1BFF;
	s21 =	sshll.u32 s7, $0x1;
	s4 =	sadd.s32 s19, s18  }
0xa2: {  	s8 =	simm.s32 $0x0;
	s20 =	sshll.u32 s6, $0x1;
	s6 =	sadd.s32 s21, s4  }
0xa3: {  	[timem:s8], [sflag:s22] =	dma.local [hbm:s6], s20  }
0xa4: {  	_ =	swait.ge [sflag:s22], s20  }
0xa5: {  	s5 =	ssub.s32 $0x0, s20;
	[sflag:s22] =	ssyncset.done $0x0  }
0xa6: {  	[sflag:s22] =	ssyncadd.s32 s5;
	_ =	sdelay $0x1  }
0xa7: {  	s23 =	simm.s32 $0x1B8B  }
0xa8: {  	_ =	swait.ge [sflag:s23], $0x1  }
0xa9: {  	[sflag:s23] =	ssyncset.done $0x0  }
0xaa: {  	s25 =	simm.s32 $0x1B8E;
	s24 =	sld [smem:$0x3FFE];
	[sflag:s23] =	ssyncadd.s32 $0xFFFFFFFF  }
0xab: {  	s26 =	simm.s32 $execute0_lowered;
	[smem:$0x3FD2] =	sst s25  }
0xac: {  	s6 =	sshll.u32 s26, $0x1;
	_ =	strace $0x80000046;
	[dreg:$0x1] =	wrdreg $0xFFFFFFFF  }
0xad: {  	s28 =	simm.s32 $_size_execute0_lowered;
	s4 =	sadd.s32 s4, s6;
	[dreg:$0x0] =	wrdreg $0x0  }
0xae: {  	s6 =	sshll.u32 s28, $0x1;
	[dreg:$0x2] =	wrdreg s4  }
0xaf: {  	[dreg:$0x3] =	wrdreg s6  }
0xb0: {  	[dreg:$0x4] =	wrdreg $0xC0  }
0xb1: {  	_ =	task [dreg:s8], $0x5FFFF  }
0xb2: {  	[dreg:$0x1] =	wrdreg $0xFFFFFFFF  }
0xb3: {  	[dreg:$0x0] =	wrdreg $0x60  }
0xb4: {  	[dreg:$0x2] =	wrdreg s15  }
0xb5: {  	[dreg:$0x3] =	wrdreg s16  }
0xb6: {  	[dreg:$0x4] =	wrdreg s24  }
0xb7: {  	[dreg:$0x5] =	wrdreg $0x9  }
0xb8: {  	_ =	task.clear_ibuf [dreg:s8], $0x6FFFF;
	_ =	strace $0x90000046  }
0xb9: {  	s29 =	simm.s32 $0x9;
	_ =	strace $0x80000048  }
0xba: {  	_ =	swait.ge [sflag:s29], $0x1  }
0xbb: {  	[sflag:s29] =	ssyncadd.s32 $0xFFFFFFFF  }
0xbc: {  	_ =	strace $0x90000048  }
0xbd: {  	_ =	sfence  }
0xbe: {  	s30 =	sld [smem:$0x0];
	_ =	sdelay $0x2  }
0xbf: {  	s31 =	sshll.u32 s1, $0xD;
	s1 =	sshrl.u32 s1, $0x2  }
0xc0: {  	s3 =	sand.u32 $0x4000, s31;
	s1 =	sadd.s32 s1, s30  }
0xc1: {  	s0 =	sor.u32 s3, s0;
	s1 =	sshll.u32 s1, $0x11  }
0xc2: {  	s0 =	sor.u32 s1, s0  }
0xc3: {  	s0 =	sadd.s32 $0x8F2B, s0  }
0xc4: {  	[sflag:s0] =	ssyncadd.remote.s32 $0x1  }
0xc5: {  	_ =	sfence.sel $0xFFFF  }
0xc6: {  	[dreg:$0x0] =	wrdreg $0xFFFFFFFF;
	(pc) =	sbr.abs _section_cstart, $3  }
0xc7: {  	[dreg:$0x1] =	wrdreg $0xFFFFFFFF  }
0xc8: {  	_ =	task.clear_ibuf [dreg:s8], $0x2FFFF;
	_ =	strace $0x9FFFFFFF  }
0xc9: {  	(tm) =	ssettm $0x7FFFFFFF  }
tec
execute0_lowered:
.L_overlay_start_1:
0x0: {  	(tag) =	ssettag $0x1  }
0x1: {  	s1 =	rddreg [dreg:$0x0]  }
0x2: {  	s0 =	rddreg [dreg:$0x1]  }
0x3: {  	s2 =	rddreg [dreg:$0x2];
	s4 =	srdreg.scid;
	s3 =	simm.s32 $0x0  }
0x4: {  	s5 =	stileid.u32;
	s14 =	simm.s32 $0x2;
	s28 =	simm.s32 $0x5900  }
0x5: {  	s29 =	simm.s32 $0x6100;
	s30 =	simm.s32 $0x6900;
	s31 =	simm.s32 $0x7100  }
0x6: {  	s10 =	simm.s32 $0xA100;
	s11 =	simm.s32 $0xA900;
	s12 =	simm.s32 $0xB100  }
0x7: {  	s4 =	sand.u32 $0x1, s4;
	[smem:$0x7FF] =	sst s3;
	s5 =	sshll.u32 s5, $0xA  }
0x8: {  	s2 =	sadd.s32 $0x1C00, s2;
	s6 =	sshll.u32 s4, $0x9;
	s4 =	ssub.s32 $0x2, s4  }
0x9: {  	_ =	strace $0x80000047;
	s5 =	sor.u32 s6, s5;
	s9 =	sshrl.u32 s4, $0x1  }
0xa: {  	s6 =	sshrl.u32 s5, $0x3;
	s7 =	sor.u32 $0x80, s5;
	s17 =	sshll.u32 s5, $0x5  }
0xb: {  	s20 =	sor.u32 $0x100, s5;
	s5 =	sor.u32 $0x180, s5;
	s4 =	ssub.s32 s4, s9  }
0xc: {  	s9 =	simm.s32 $0x9900;
	s6 =	sadd.s32 s0, s6;
	s8 =	sshrl.u32 s7, $0x3  }
0xd: {  	s18 =	sadd.s32 s2, s17;
	s19 =	sshll.u32 s7, $0x5;
	s21 =	sshrl.u32 s20, $0x3  }
0xe: {  	s23 =	sshrl.u32 s5, $0x3;
	s24 =	sshll.u32 s20, $0x5;
	s5 =	sshll.u32 s5, $0x5  }
0xf: {  	s4 =	smax.u32 s4, $0x1;
	s17 =	simm.s32 $0x1100;
	s20 =	simm.s32 $0x2900  }
0x10: {  	s7 =	simm.s32 $0x8900;
	[dreg:$0x4] =	wrdreg s6;
	s16 =	sadd.s32 s0, s8  }
0x11: {  	[dreg:$0x6] =	wrdreg s18;
	s6 =	sadd.s32 s2, s19;
	s22 =	sadd.s32 s0, s21  }
0x12: {  	s0 =	sadd.s32 s0, s23;
	s25 =	sadd.s32 s2, s24;
	[dreg:$0x5] =	wrdreg s16  }
0x13: {  	s26 =	sadd.s32 s2, s5;
	s5 =	simm.s32 $0x3;
	[dreg:$0x7] =	wrdreg s6  }
0x14: {  	s2 =	simm.s32 $0x1;
	s18 =	simm.s32 $0x1900;
	[dreg:$0x8] =	wrdreg s22  }
0x15: {  	s19 =	simm.s32 $0x2100;
	s21 =	simm.s32 $0x3100;
	[dreg:$0x9] =	wrdreg s0  }
0x16: {  	v2 =	vlaneseq.u32;
	s24 =	simm.s32 $0x4100;
	s23 =	simm.s32 $0x7900;
	[dreg:$0xa] =	wrdreg s25  }
0x17: {  	vm0 =	vmmov $0xffff;
	v1 =	vshrl.u32 v2, $0x3;
	s8 =	simm.s32 $0x9100;
	[dreg:$0xb] =	wrdreg s26;
	s16 =	simm.s32 $0x900  }
0x18: {  	v0 =	vand.u32 $0x7, v2;
	v2 =	vor.u32 $0x8, v2;
	v1 =	vmul.u32 $0x8, v1;
	s22 =	simm.s32 $0x3900;
	s25 =	simm.s32 $0x4900;
	s26 =	simm.s32 $0x5100  }
.LBB2_1:
0x19: {  	s15 =	rddreg [dreg:$0x4]  }
0x1a: {  	[tilespmem:s3], [sflag:$0x3] =	stream.linear.gather [hbm4b:s15+s3], $0x80, $0x38;
	[tilespmem:$0x10100] =	vst v63  }
0x1b: {  	_ =	swait.ge [sflag:s5], $0x80  }
0x1c: {  	[sflag:s5] =	ssyncset.done $0x0  }
0x1d: {  	[sflag:s5] =	ssyncadd.s32 $0xFFFFFF80  }
0x1e: {  	v3 =	vld [tilespmem:$0x0];
	_ =	sdelay $0x4  }
0x1f: {  	v4 =	vshll.u32 v3, $0x1  }
0x20: {  	v3 =	vand.u32 $0x7, v3;
	v4 =	vand.u32 $0xFFFFFFF0, v4  }
0x21: {  	v3 =	vor.u32 v3, v4  }
0x22: {  	v4 =	vperm.xlane v3, v0;
	_ =	sdelay $0x1  }
0x23: {  	v3 =	vperm.xlane v3, v2;
	v4 =	vadd.s32 v1, v4;
	_ =	sdelay $0x1  }
0x24: {  	v3 =	vadd.s32 v1, v3;
	_ =	sdelay $0x1  }
0x25: {  	s0 =	simm.s32 $0x100  }
0x26: {  	[tilespmem:s0], [sflag:$0x1] =	stream.indirect_vreg.gather [hbm4b:s1+s3], $0x80, v4, vm0, $0xb8;
	[tilespmem:$0x10100] =	vst v63  }
0x27: {  	_ = 	snop  }
0x28: {  	[tilespmem:s16], [sflag:$0x1] =	stream.indirect_vreg.gather [hbm4b:s1+s3], $0x80, v3, vm0, $0xb8;
	[tilespmem:$0x10100] =	vst v63  }
0x29: {  	v3 =	vld [tilespmem:$0x10];
	_ =	sdelay $0x4  }
0x2a: {  	v33 =	vshll.u32 v3, $0x1  }
0x2b: {  	v3 =	vand.u32 $0x7, v3;
	v4 =	vand.u32 $0xFFFFFFF0, v33  }
0x2c: {  	v3 =	vor.u32 v3, v4  }
0x2d: {  	v4 =	vperm.xlane v3, v0;
	_ =	sdelay $0x1  }
0x2e: {  	v3 =	vperm.xlane v3, v2;
	v4 =	vadd.s32 v1, v4;
	_ =	sdelay $0x1  }
0x2f: {  	v3 =	vadd.s32 v1, v3;
	_ =	sdelay $0x2  }
0x30: {  	[tilespmem:s17], [sflag:$0x1] =	stream.indirect_vreg.gather [hbm4b:s1+s3], $0x80, v4, vm0, $0xb8;
	[tilespmem:$0x10100] =	vst v63  }
0x31: {  	_ = 	snop  }
0x32: {  	[tilespmem:s18], [sflag:$0x1] =	stream.indirect_vreg.gather [hbm4b:s1+s3], $0x80, v3, vm0, $0xb8;
	[tilespmem:$0x10100] =	vst v63  }
0x33: {  	v3 =	vld [tilespmem:$0x20];
	_ =	sdelay $0x4  }
0x34: {  	v34 =	vshll.u32 v3, $0x1  }
0x35: {  	v3 =	vand.u32 $0x7, v3;
	v4 =	vand.u32 $0xFFFFFFF0, v34  }
0x36: {  	v3 =	vor.u32 v3, v4  }
0x37: {  	v4 =	vperm.xlane v3, v0;
	_ =	sdelay $0x1  }
0x38: {  	v3 =	vperm.xlane v3, v2;
	v4 =	vadd.s32 v1, v4;
	_ =	sdelay $0x1  }
0x39: {  	v3 =	vadd.s32 v1, v3;
	_ =	sdelay $0x2  }
0x3a: {  	[tilespmem:s19], [sflag:$0x1] =	stream.indirect_vreg.gather [hbm4b:s1+s3], $0x80, v4, vm0, $0xb8;
	[tilespmem:$0x10100] =	vst v63  }
0x3b: {  	_ = 	snop  }
0x3c: {  	[tilespmem:s20], [sflag:$0x1] =	stream.indirect_vreg.gather [hbm4b:s1+s3], $0x80, v3, vm0, $0xb8;
	[tilespmem:$0x10100] =	vst v63  }
0x3d: {  	v3 =	vld [tilespmem:$0x30];
	_ =	sdelay $0x4  }
0x3e: {  	v35 =	vshll.u32 v3, $0x1  }
0x3f: {  	v3 =	vand.u32 $0x7, v3;
	v4 =	vand.u32 $0xFFFFFFF0, v35  }
0x40: {  	v3 =	vor.u32 v3, v4  }
0x41: {  	v4 =	vperm.xlane v3, v0;
	_ =	sdelay $0x1  }
0x42: {  	v3 =	vperm.xlane v3, v2;
	v4 =	vadd.s32 v1, v4;
	_ =	sdelay $0x1  }
0x43: {  	v3 =	vadd.s32 v1, v3;
	_ =	sdelay $0x2  }
0x44: {  	[tilespmem:s21], [sflag:$0x1] =	stream.indirect_vreg.gather [hbm4b:s1+s3], $0x80, v4, vm0, $0xb8;
	[tilespmem:$0x10100] =	vst v63  }
0x45: {  	_ = 	snop  }
0x46: {  	[tilespmem:s22], [sflag:$0x1] =	stream.indirect_vreg.gather [hbm4b:s1+s3], $0x80, v3, vm0, $0xb8;
	[tilespmem:$0x10100] =	vst v63  }
0x47: {  	v3 =	vld [tilespmem:$0x40];
	_ =	sdelay $0x4  }
0x48: {  	v36 =	vshll.u32 v3, $0x1  }
0x49: {  	v3 =	vand.u32 $0x7, v3;
	v4 =	vand.u32 $0xFFFFFFF0, v36  }
0x4a: {  	v3 =	vor.u32 v3, v4  }
0x4b: {  	v4 =	vperm.xlane v3, v0;
	_ =	sdelay $0x1  }
0x4c: {  	v3 =	vperm.xlane v3, v2;
	v4 =	vadd.s32 v1, v4;
	_ =	sdelay $0x1  }
0x4d: {  	v3 =	vadd.s32 v1, v3;
	_ =	sdelay $0x2  }
0x4e: {  	[tilespmem:s24], [sflag:$0x1] =	stream.indirect_vreg.gather [hbm4b:s1+s3], $0x80, v4, vm0, $0xb8;
	[tilespmem:$0x10100] =	vst v63  }
0x4f: {  	_ = 	snop  }
0x50: {  	[tilespmem:s25], [sflag:$0x1] =	stream.indirect_vreg.gather [hbm4b:s1+s3], $0x80, v3, vm0, $0xb8;
	[tilespmem:$0x10100] =	vst v63  }
0x51: {  	v3 =	vld [tilespmem:$0x50];
	_ =	sdelay $0x4  }
0x52: {  	v37 =	vshll.u32 v3, $0x1  }
0x53: {  	v3 =	vand.u32 $0x7, v3;
	v4 =	vand.u32 $0xFFFFFFF0, v37  }
0x54: {  	v3 =	vor.u32 v3, v4  }
0x55: {  	v4 =	vperm.xlane v3, v0;
	_ =	sdelay $0x1  }
0x56: {  	v3 =	vperm.xlane v3, v2;
	v4 =	vadd.s32 v1, v4;
	_ =	sdelay $0x1  }
0x57: {  	v3 =	vadd.s32 v1, v3;
	_ =	sdelay $0x2  }
0x58: {  	[tilespmem:s26], [sflag:$0x1] =	stream.indirect_vreg.gather [hbm4b:s1+s3], $0x80, v4, vm0, $0xb8;
	[tilespmem:$0x10100] =	vst v63  }
0x59: {  	_ = 	snop  }
0x5a: {  	[tilespmem:s28], [sflag:$0x1] =	stream.indirect_vreg.gather [hbm4b:s1+s3], $0x80, v3, vm0, $0xb8;
	[tilespmem:$0x10100] =	vst v63  }
0x5b: {  	v3 =	vld [tilespmem:$0x60];
	_ =	sdelay $0x4  }
0x5c: {  	v38 =	vshll.u32 v3, $0x1  }
0x5d: {  	v3 =	vand.u32 $0x7, v3;
	v4 =	vand.u32 $0xFFFFFFF0, v38  }
0x5e: {  	v3 =	vor.u32 v3, v4  }
0x5f: {  	v4 =	vperm.xlane v3, v0;
	_ =	sdelay $0x1  }
0x60: {  	v3 =	vperm.xlane v3, v2;
	v4 =	vadd.s32 v1, v4;
	_ =	sdelay $0x1  }
0x61: {  	v3 =	vadd.s32 v1, v3;
	_ =	sdelay $0x2  }
0x62: {  	[tilespmem:s29], [sflag:$0x1] =	stream.indirect_vreg.gather [hbm4b:s1+s3], $0x80, v4, vm0, $0xb8;
	[tilespmem:$0x10100] =	vst v63  }
0x63: {  	_ = 	snop  }
0x64: {  	[tilespmem:s30], [sflag:$0x1] =	stream.indirect_vreg.gather [hbm4b:s1+s3], $0x80, v3, vm0, $0xb8;
	[tilespmem:$0x10100] =	vst v63  }
0x65: {  	v3 =	vld [tilespmem:$0x70];
	_ =	sdelay $0x4  }
0x66: {  	v39 =	vshll.u32 v3, $0x1  }
0x67: {  	v3 =	vand.u32 $0x7, v3;
	v4 =	vand.u32 $0xFFFFFFF0, v39  }
0x68: {  	v3 =	vor.u32 v3, v4  }
0x69: {  	v4 =	vperm.xlane v3, v0;
	_ =	sdelay $0x1  }
0x6a: {  	v3 =	vperm.xlane v3, v2;
	v4 =	vadd.s32 v1, v4;
	_ =	sdelay $0x1  }
0x6b: {  	v3 =	vadd.s32 v1, v3;
	_ =	sdelay $0x2  }
0x6c: {  	[tilespmem:s31], [sflag:$0x1] =	stream.indirect_vreg.gather [hbm4b:s1+s3], $0x80, v4, vm0, $0xb8;
	[tilespmem:$0x10100] =	vst v63  }
0x6d: {  	_ = 	snop  }
0x6e: {  	[tilespmem:s23], [sflag:$0x1] =	stream.indirect_vreg.gather [hbm4b:s1+s3], $0x80, v3, vm0, $0xb8;
	[tilespmem:$0x10100] =	vst v63  }
0x6f: {  	s13 =	simm.s32 $0x80;
	s6 =	rddreg [dreg:$0x5]  }
0x70: {  	[tilespmem:s13], [sflag:$0x3] =	stream.linear.gather [hbm4b:s6+s3], $0x80, $0x38;
	[tilespmem:$0x10100] =	vst v63  }
0x71: {  	_ =	swait.ge [sflag:s5], $0x80  }
0x72: {  	[sflag:s5] =	ssyncset.done $0x0  }
0x73: {  	[sflag:s5] =	ssyncadd.s32 $0xFFFFFF80  }
0x74: {  	v3 =	vld [tilespmem:$0x80];
	_ =	sdelay $0x4  }
0x75: {  	v40 =	vshll.u32 v3, $0x1  }
0x76: {  	v3 =	vand.u32 $0x7, v3;
	v4 =	vand.u32 $0xFFFFFFF0, v40  }
0x77: {  	v3 =	vor.u32 v3, v4  }
0x78: {  	v4 =	vperm.xlane v3, v0;
	_ =	sdelay $0x1  }
0x79: {  	v3 =	vperm.xlane v3, v2;
	v4 =	vadd.s32 v1, v4;
	_ =	sdelay $0x1  }
0x7a: {  	v3 =	vadd.s32 v1, v3;
	_ =	sdelay $0x1  }
0x7b: {  	s0 =	simm.s32 $0x8100  }
0x7c: {  	[tilespmem:s0], [sflag:$0x2] =	stream.indirect_vreg.gather [hbm4b:s1+s3], $0x80, v4, vm0, $0xb8;
	[tilespmem:$0x10100] =	vst v63  }
0x7d: {  	_ = 	snop  }
0x7e: {  	[tilespmem:s7], [sflag:$0x2] =	stream.indirect_vreg.gather [hbm4b:s1+s3], $0x80, v3, vm0, $0xb8;
	[tilespmem:$0x10100] =	vst v63  }
0x7f: {  	v3 =	vld [tilespmem:$0x90];
	_ =	sdelay $0x4  }
0x80: {  	v41 =	vshll.u32 v3, $0x1  }
0x81: {  	v3 =	vand.u32 $0x7, v3;
	v4 =	vand.u32 $0xFFFFFFF0, v41  }
0x82: {  	v3 =	vor.u32 v3, v4  }
0x83: {  	v4 =	vperm.xlane v3, v0;
	_ =	sdelay $0x1  }
0x84: {  	v3 =	vperm.xlane v3, v2;
	v4 =	vadd.s32 v1, v4;
	_ =	sdelay $0x1  }
0x85: {  	v3 =	vadd.s32 v1, v3;
	_ =	sdelay $0x2  }
0x86: {  	[tilespmem:s8], [sflag:$0x2] =	stream.indirect_vreg.gather [hbm4b:s1+s3], $0x80, v4, vm0, $0xb8;
	[tilespmem:$0x10100] =	vst v63  }
0x87: {  	_ = 	snop  }
0x88: {  	[tilespmem:s9], [sflag:$0x2] =	stream.indirect_vreg.gather [hbm4b:s1+s3], $0x80, v3, vm0, $0xb8;
	[tilespmem:$0x10100] =	vst v63  }
0x89: {  	v3 =	vld [tilespmem:$0xA0];
	_ =	sdelay $0x4  }
0x8a: {  	v42 =	vshll.u32 v3, $0x1  }
0x8b: {  	v3 =	vand.u32 $0x7, v3;
	v4 =	vand.u32 $0xFFFFFFF0, v42  }
0x8c: {  	v3 =	vor.u32 v3, v4  }
0x8d: {  	v4 =	vperm.xlane v3, v0;
	_ =	sdelay $0x1  }
0x8e: {  	v3 =	vperm.xlane v3, v2;
	v4 =	vadd.s32 v1, v4;
	_ =	sdelay $0x1  }
0x8f: {  	v3 =	vadd.s32 v1, v3;
	_ =	sdelay $0x2  }
0x90: {  	[tilespmem:s10], [sflag:$0x2] =	stream.indirect_vreg.gather [hbm4b:s1+s3], $0x80, v4, vm0, $0xb8;
	[tilespmem:$0x10100] =	vst v63  }
0x91: {  	_ = 	snop  }
0x92: {  	[tilespmem:s11], [sflag:$0x2] =	stream.indirect_vreg.gather [hbm4b:s1+s3], $0x80, v3, vm0, $0xb8;
	[tilespmem:$0x10100] =	vst v63  }
0x93: {  	v3 =	vld [tilespmem:$0xB0];
	_ =	sdelay $0x4  }
0x94: {  	v43 =	vshll.u32 v3, $0x1  }
0x95: {  	v3 =	vand.u32 $0x7, v3;
	v4 =	vand.u32 $0xFFFFFFF0, v43  }
0x96: {  	v3 =	vor.u32 v3, v4  }
0x97: {  	v4 =	vperm.xlane v3, v0;
	_ =	sdelay $0x1  }
0x98: {  	v3 =	vperm.xlane v3, v2;
	v4 =	vadd.s32 v1, v4;
	_ =	sdelay $0x1  }
0x99: {  	v3 =	vadd.s32 v1, v3;
	_ =	sdelay $0x2  }
0x9a: {  	[tilespmem:s12], [sflag:$0x2] =	stream.indirect_vreg.gather [hbm4b:s1+s3], $0x80, v4, vm0, $0xb8;
	[tilespmem:$0x10100] =	vst v63  }
0x9b: {  	s6 =	simm.s32 $0xB900  }
0x9c: {  	[tilespmem:s6], [sflag:$0x2] =	stream.indirect_vreg.gather [hbm4b:s1+s3], $0x80, v3, vm0, $0xb8;
	[tilespmem:$0x10100] =	vst v63  }
0x9d: {  	v3 =	vld [tilespmem:$0xC0];
	_ =	sdelay $0x4  }
0x9e: {  	v44 =	vshll.u32 v3, $0x1  }
0x9f: {  	v3 =	vand.u32 $0x7, v3;
	v4 =	vand.u32 $0xFFFFFFF0, v44  }
0xa0: {  	v3 =	vor.u32 v3, v4  }
0xa1: {  	v4 =	vperm.xlane v3, v0;
	_ =	sdelay $0x1  }
0xa2: {  	v3 =	vperm.xlane v3, v2;
	v4 =	vadd.s32 v1, v4;
	_ =	sdelay $0x1  }
0xa3: {  	v3 =	vadd.s32 v1, v3;
	_ =	sdelay $0x1  }
0xa4: {  	s13 =	simm.s32 $0xC100  }
0xa5: {  	[tilespmem:s13], [sflag:$0x2] =	stream.indirect_vreg.gather [hbm4b:s1+s3], $0x80, v4, vm0, $0xb8;
	[tilespmem:$0x10100] =	vst v63  }
0xa6: {  	s15 =	simm.s32 $0xC900  }
0xa7: {  	[tilespmem:s15], [sflag:$0x2] =	stream.indirect_vreg.gather [hbm4b:s1+s3], $0x80, v3, vm0, $0xb8;
	[tilespmem:$0x10100] =	vst v63  }
0xa8: {  	v3 =	vld [tilespmem:$0xD0];
	_ =	sdelay $0x4  }
0xa9: {  	v45 =	vshll.u32 v3, $0x1  }
0xaa: {  	v3 =	vand.u32 $0x7, v3;
	v4 =	vand.u32 $0xFFFFFFF0, v45  }
0xab: {  	v3 =	vor.u32 v3, v4  }
0xac: {  	v4 =	vperm.xlane v3, v0;
	_ =	sdelay $0x1  }
0xad: {  	v3 =	vperm.xlane v3, v2;
	v4 =	vadd.s32 v1, v4;
	_ =	sdelay $0x1  }
0xae: {  	v3 =	vadd.s32 v1, v3;
	_ =	sdelay $0x1  }
0xaf: {  	s15 =	simm.s32 $0xD100  }
0xb0: {  	[tilespmem:s15], [sflag:$0x2] =	stream.indirect_vreg.gather [hbm4b:s1+s3], $0x80, v4, vm0, $0xb8;
	[tilespmem:$0x10100] =	vst v63  }
0xb1: {  	s15 =	simm.s32 $0xD900  }
0xb2: {  	[tilespmem:s15], [sflag:$0x2] =	stream.indirect_vreg.gather [hbm4b:s1+s3], $0x80, v3, vm0, $0xb8;
	[tilespmem:$0x10100] =	vst v63  }
0xb3: {  	v3 =	vld [tilespmem:$0xE0];
	_ =	sdelay $0x4  }
0xb4: {  	v46 =	vshll.u32 v3, $0x1  }
0xb5: {  	v3 =	vand.u32 $0x7, v3;
	v4 =	vand.u32 $0xFFFFFFF0, v46  }
0xb6: {  	v3 =	vor.u32 v3, v4  }
0xb7: {  	v4 =	vperm.xlane v3, v0;
	_ =	sdelay $0x1  }
0xb8: {  	v3 =	vperm.xlane v3, v2;
	v4 =	vadd.s32 v1, v4;
	_ =	sdelay $0x1  }
0xb9: {  	v3 =	vadd.s32 v1, v3;
	_ =	sdelay $0x1  }
0xba: {  	s15 =	simm.s32 $0xE100  }
0xbb: {  	[tilespmem:s15], [sflag:$0x2] =	stream.indirect_vreg.gather [hbm4b:s1+s3], $0x80, v4, vm0, $0xb8;
	[tilespmem:$0x10100] =	vst v63  }
0xbc: {  	s15 =	simm.s32 $0xE900  }
0xbd: {  	[tilespmem:s15], [sflag:$0x2] =	stream.indirect_vreg.gather [hbm4b:s1+s3], $0x80, v3, vm0, $0xb8;
	[tilespmem:$0x10100] =	vst v63  }
0xbe: {  	v3 =	vld [tilespmem:$0xF0];
	_ =	sdelay $0x4  }
0xbf: {  	v47 =	vshll.u32 v3, $0x1  }
0xc0: {  	v3 =	vand.u32 $0x7, v3;
	v4 =	vand.u32 $0xFFFFFFF0, v47  }
0xc1: {  	v3 =	vor.u32 v3, v4  }
0xc2: {  	v4 =	vperm.xlane v3, v0;
	_ =	sdelay $0x1  }
0xc3: {  	v3 =	vperm.xlane v3, v2;
	v4 =	vadd.s32 v1, v4;
	_ =	sdelay $0x1  }
0xc4: {  	v3 =	vadd.s32 v1, v3;
	_ =	sdelay $0x1  }
0xc5: {  	s15 =	simm.s32 $0xF100  }
0xc6: {  	[tilespmem:s15], [sflag:$0x2] =	stream.indirect_vreg.gather [hbm4b:s1+s3], $0x80, v4, vm0, $0xb8;
	[tilespmem:$0x10100] =	vst v63  }
0xc7: {  	s15 =	simm.s32 $0xF900  }
0xc8: {  	[tilespmem:s15], [sflag:$0x2] =	stream.indirect_vreg.gather [hbm4b:s1+s3], $0x80, v3, vm0, $0xb8;
	[tilespmem:$0x10100] =	vst v63  }
0xc9: {  	_ =	swait.ge [sflag:s2], $0x8000  }
0xca: {  	[sflag:s2] =	ssyncset.done $0x0  }
0xcb: {  	s13 =	simm.s32 $0x100;
	s15 =	rddreg [dreg:$0x6];
	[sflag:s2] =	ssyncadd.s32 $0xFFFF8000  }
0xcc: {  	[hbm4b:s15+s3] =	stream.linear.scatter [tilespmem:s13], [sflag:$0x3], $0x8000, $0x38;
	[tilespmem:$0x10100] =	vst v63  }
0xcd: {  	_ =	swait.ge [sflag:s5], $0x8000  }
0xce: {  	[sflag:s5] =	ssyncset.done $0x0  }
0xcf: {  	[sflag:s5] =	ssyncadd.s32 $0xFFFF8000  }
0xd0: {  	_ =	swait.ge [sflag:s14], $0x8000  }
0xd1: {  	[sflag:s14] =	ssyncset.done $0x0  }
0xd2: {  	s15 =	rddreg [dreg:$0x7];
	[sflag:s14] =	ssyncadd.s32 $0xFFFF8000  }
0xd3: {  	[hbm4b:s15+s3] =	stream.linear.scatter [tilespmem:s0], [sflag:$0x3], $0x8000, $0x38;
	[tilespmem:$0x10100] =	vst v63  }
0xd4: {  	_ =	swait.ge [sflag:s5], $0x8000  }
0xd5: {  	[sflag:s5] =	ssyncset.done $0x0  }
0xd6: {  	s15 =	rddreg [dreg:$0x8];
	[sflag:s5] =	ssyncadd.s32 $0xFFFF8000  }
0xd7: {  	[tilespmem:s3], [sflag:$0x3] =	stream.linear.gather [hbm4b:s15+s3], $0x80, $0x38;
	[tilespmem:$0x10100] =	vst v63  }
0xd8: {  	_ =	swait.ge [sflag:s5], $0x80  }
0xd9: {  	[sflag:s5] =	ssyncset.done $0x0  }
0xda: {  	[sflag:s5] =	ssyncadd.s32 $0xFFFFFF80  }
0xdb: {  	v3 =	vld [tilespmem:$0x0];
	_ =	sdelay $0x4  }
0xdc: {  	v48 =	vshll.u32 v3, $0x1  }
0xdd: {  	v3 =	vand.u32 $0x7, v3;
	v4 =	vand.u32 $0xFFFFFFF0, v48  }
0xde: {  	v3 =	vor.u32 v3, v4  }
0xdf: {  	v4 =	vperm.xlane v3, v0;
	_ =	sdelay $0x1  }
0xe0: {  	v3 =	vperm.xlane v3, v2;
	v4 =	vadd.s32 v1, v4;
	_ =	sdelay $0x1  }
0xe1: {  	v3 =	vadd.s32 v1, v3;
	_ =	sdelay $0x2  }
0xe2: {  	[tilespmem:s13], [sflag:$0x1] =	stream.indirect_vreg.gather [hbm4b:s1+s3], $0x80, v4, vm0, $0xb8;
	[tilespmem:$0x10100] =	vst v63  }
0xe3: {  	_ = 	snop  }
0xe4: {  	[tilespmem:s16], [sflag:$0x1] =	stream.indirect_vreg.gather [hbm4b:s1+s3], $0x80, v3, vm0, $0xb8;
	[tilespmem:$0x10100] =	vst v63  }
0xe5: {  	v3 =	vld [tilespmem:$0x10];
	_ =	sdelay $0x4  }
0xe6: {  	v49 =	vshll.u32 v3, $0x1  }
0xe7: {  	v3 =	vand.u32 $0x7, v3;
	v4 =	vand.u32 $0xFFFFFFF0, v49  }
0xe8: {  	v3 =	vor.u32 v3, v4  }
0xe9: {  	v4 =	vperm.xlane v3, v0;
	_ =	sdelay $0x1  }
0xea: {  	v3 =	vperm.xlane v3, v2;
	v4 =	vadd.s32 v1, v4;
	_ =	sdelay $0x1  }
0xeb: {  	v3 =	vadd.s32 v1, v3;
	_ =	sdelay $0x2  }
0xec: {  	[tilespmem:s17], [sflag:$0x1] =	stream.indirect_vreg.gather [hbm4b:s1+s3], $0x80, v4, vm0, $0xb8;
	[tilespmem:$0x10100] =	vst v63  }
0xed: {  	_ = 	snop  }
0xee: {  	[tilespmem:s18], [sflag:$0x1] =	stream.indirect_vreg.gather [hbm4b:s1+s3], $0x80, v3, vm0, $0xb8;
	[tilespmem:$0x10100] =	vst v63  }
0xef: {  	v3 =	vld [tilespmem:$0x20];
	_ =	sdelay $0x4  }
0xf0: {  	v50 =	vshll.u32 v3, $0x1  }
0xf1: {  	v3 =	vand.u32 $0x7, v3;
	v4 =	vand.u32 $0xFFFFFFF0, v50  }
0xf2: {  	v3 =	vor.u32 v3, v4  }
0xf3: {  	v4 =	vperm.xlane v3, v0;
	_ =	sdelay $0x1  }
0xf4: {  	v3 =	vperm.xlane v3, v2;
	v4 =	vadd.s32 v1, v4;
	_ =	sdelay $0x1  }
0xf5: {  	v3 =	vadd.s32 v1, v3;
	_ =	sdelay $0x2  }
0xf6: {  	[tilespmem:s19], [sflag:$0x1] =	stream.indirect_vreg.gather [hbm4b:s1+s3], $0x80, v4, vm0, $0xb8;
	[tilespmem:$0x10100] =	vst v63  }
0xf7: {  	_ = 	snop  }
0xf8: {  	[tilespmem:s20], [sflag:$0x1] =	stream.indirect_vreg.gather [hbm4b:s1+s3], $0x80, v3, vm0, $0xb8;
	[tilespmem:$0x10100] =	vst v63  }
0xf9: {  	v3 =	vld [tilespmem:$0x30];
	_ =	sdelay $0x4  }
0xfa: {  	v51 =	vshll.u32 v3, $0x1  }
0xfb: {  	v3 =	vand.u32 $0x7, v3;
	v4 =	vand.u32 $0xFFFFFFF0, v51  }
0xfc: {  	v3 =	vor.u32 v3, v4  }
0xfd: {  	v4 =	vperm.xlane v3, v0;
	_ =	sdelay $0x1  }
0xfe: {  	v3 =	vperm.xlane v3, v2;
	v4 =	vadd.s32 v1, v4;
	_ =	sdelay $0x1  }
0xff: {  	v3 =	vadd.s32 v1, v3;
	_ =	sdelay $0x2  }
0x100: {  	[tilespmem:s21], [sflag:$0x1] =	stream.indirect_vreg.gather [hbm4b:s1+s3], $0x80, v4, vm0, $0xb8;
	[tilespmem:$0x10100] =	vst v63  }
0x101: {  	_ = 	snop  }
0x102: {  	[tilespmem:s22], [sflag:$0x1] =	stream.indirect_vreg.gather [hbm4b:s1+s3], $0x80, v3, vm0, $0xb8;
	[tilespmem:$0x10100] =	vst v63  }
0x103: {  	v3 =	vld [tilespmem:$0x40];
	_ =	sdelay $0x4  }
0x104: {  	v52 =	vshll.u32 v3, $0x1  }
0x105: {  	v3 =	vand.u32 $0x7, v3;
	v4 =	vand.u32 $0xFFFFFFF0, v52  }
0x106: {  	v3 =	vor.u32 v3, v4  }
0x107: {  	v4 =	vperm.xlane v3, v0;
	_ =	sdelay $0x1  }
0x108: {  	v3 =	vperm.xlane v3, v2;
	v4 =	vadd.s32 v1, v4;
	_ =	sdelay $0x1  }
0x109: {  	v3 =	vadd.s32 v1, v3;
	_ =	sdelay $0x2  }
0x10a: {  	[tilespmem:s24], [sflag:$0x1] =	stream.indirect_vreg.gather [hbm4b:s1+s3], $0x80, v4, vm0, $0xb8;
	[tilespmem:$0x10100] =	vst v63  }
0x10b: {  	_ = 	snop  }
0x10c: {  	[tilespmem:s25], [sflag:$0x1] =	stream.indirect_vreg.gather [hbm4b:s1+s3], $0x80, v3, vm0, $0xb8;
	[tilespmem:$0x10100] =	vst v63  }
0x10d: {  	v3 =	vld [tilespmem:$0x50];
	_ =	sdelay $0x4  }
0x10e: {  	v53 =	vshll.u32 v3, $0x1  }
0x10f: {  	v3 =	vand.u32 $0x7, v3;
	v4 =	vand.u32 $0xFFFFFFF0, v53  }
0x110: {  	v3 =	vor.u32 v3, v4  }
0x111: {  	v4 =	vperm.xlane v3, v0;
	_ =	sdelay $0x1  }
0x112: {  	v3 =	vperm.xlane v3, v2;
	v4 =	vadd.s32 v1, v4;
	_ =	sdelay $0x1  }
0x113: {  	v3 =	vadd.s32 v1, v3;
	_ =	sdelay $0x2  }
0x114: {  	[tilespmem:s26], [sflag:$0x1] =	stream.indirect_vreg.gather [hbm4b:s1+s3], $0x80, v4, vm0, $0xb8;
	[tilespmem:$0x10100] =	vst v63  }
0x115: {  	_ = 	snop  }
0x116: {  	[tilespmem:s28], [sflag:$0x1] =	stream.indirect_vreg.gather [hbm4b:s1+s3], $0x80, v3, vm0, $0xb8;
	[tilespmem:$0x10100] =	vst v63  }
0x117: {  	v3 =	vld [tilespmem:$0x60];
	_ =	sdelay $0x4  }
0x118: {  	v54 =	vshll.u32 v3, $0x1  }
0x119: {  	v3 =	vand.u32 $0x7, v3;
	v4 =	vand.u32 $0xFFFFFFF0, v54  }
0x11a: {  	v3 =	vor.u32 v3, v4  }
0x11b: {  	v4 =	vperm.xlane v3, v0;
	_ =	sdelay $0x1  }
0x11c: {  	v3 =	vperm.xlane v3, v2;
	v4 =	vadd.s32 v1, v4;
	_ =	sdelay $0x1  }
0x11d: {  	v3 =	vadd.s32 v1, v3;
	_ =	sdelay $0x2  }
0x11e: {  	[tilespmem:s29], [sflag:$0x1] =	stream.indirect_vreg.gather [hbm4b:s1+s3], $0x80, v4, vm0, $0xb8;
	[tilespmem:$0x10100] =	vst v63  }
0x11f: {  	_ = 	snop  }
0x120: {  	[tilespmem:s30], [sflag:$0x1] =	stream.indirect_vreg.gather [hbm4b:s1+s3], $0x80, v3, vm0, $0xb8;
	[tilespmem:$0x10100] =	vst v63  }
0x121: {  	v3 =	vld [tilespmem:$0x70];
	_ =	sdelay $0x4  }
0x122: {  	v55 =	vshll.u32 v3, $0x1  }
0x123: {  	v3 =	vand.u32 $0x7, v3;
	v4 =	vand.u32 $0xFFFFFFF0, v55  }
0x124: {  	v3 =	vor.u32 v3, v4  }
0x125: {  	v4 =	vperm.xlane v3, v0;
	_ =	sdelay $0x1  }
0x126: {  	v3 =	vperm.xlane v3, v2;
	v4 =	vadd.s32 v1, v4;
	_ =	sdelay $0x1  }
0x127: {  	v3 =	vadd.s32 v1, v3;
	_ =	sdelay $0x2  }
0x128: {  	[tilespmem:s31], [sflag:$0x1] =	stream.indirect_vreg.gather [hbm4b:s1+s3], $0x80, v4, vm0, $0xb8;
	[tilespmem:$0x10100] =	vst v63  }
0x129: {  	_ = 	snop  }
0x12a: {  	[tilespmem:s23], [sflag:$0x1] =	stream.indirect_vreg.gather [hbm4b:s1+s3], $0x80, v3, vm0, $0xb8;
	[tilespmem:$0x10100] =	vst v63  }
0x12b: {  	s15 =	rddreg [dreg:$0x9];
	s13 =	simm.s32 $0x80  }
0x12c: {  	[tilespmem:s13], [sflag:$0x3] =	stream.linear.gather [hbm4b:s15+s3], $0x80, $0x38;
	[tilespmem:$0x10100] =	vst v63  }
0x12d: {  	_ =	swait.ge [sflag:s5], $0x80  }
0x12e: {  	[sflag:s5] =	ssyncset.done $0x0  }
0x12f: {  	[sflag:s5] =	ssyncadd.s32 $0xFFFFFF80  }
0x130: {  	v3 =	vld [tilespmem:$0x80];
	_ =	sdelay $0x4  }
0x131: {  	v56 =	vshll.u32 v3, $0x1  }
0x132: {  	v3 =	vand.u32 $0x7, v3;
	v4 =	vand.u32 $0xFFFFFFF0, v56  }
0x133: {  	v3 =	vor.u32 v3, v4  }
0x134: {  	v4 =	vperm.xlane v3, v0;
	_ =	sdelay $0x1  }
0x135: {  	v3 =	vperm.xlane v3, v2;
	v4 =	vadd.s32 v1, v4;
	_ =	sdelay $0x1  }
0x136: {  	v3 =	vadd.s32 v1, v3;
	_ =	sdelay $0x2  }
0x137: {  	[tilespmem:s0], [sflag:$0x2] =	stream.indirect_vreg.gather [hbm4b:s1+s3], $0x80, v4, vm0, $0xb8;
	[tilespmem:$0x10100] =	vst v63  }
0x138: {  	_ = 	snop  }
0x139: {  	[tilespmem:s7], [sflag:$0x2] =	stream.indirect_vreg.gather [hbm4b:s1+s3], $0x80, v3, vm0, $0xb8;
	[tilespmem:$0x10100] =	vst v63  }
0x13a: {  	v3 =	vld [tilespmem:$0x90];
	_ =	sdelay $0x4  }
0x13b: {  	v57 =	vshll.u32 v3, $0x1  }
0x13c: {  	v3 =	vand.u32 $0x7, v3;
	v4 =	vand.u32 $0xFFFFFFF0, v57  }
0x13d: {  	v3 =	vor.u32 v3, v4  }
0x13e: {  	v4 =	vperm.xlane v3, v0;
	_ =	sdelay $0x1  }
0x13f: {  	v3 =	vperm.xlane v3, v2;
	v4 =	vadd.s32 v1, v4;
	_ =	sdelay $0x1  }
0x140: {  	v3 =	vadd.s32 v1, v3;
	_ =	sdelay $0x2  }
0x141: {  	[tilespmem:s8], [sflag:$0x2] =	stream.indirect_vreg.gather [hbm4b:s1+s3], $0x80, v4, vm0, $0xb8;
	[tilespmem:$0x10100] =	vst v63  }
0x142: {  	_ = 	snop  }
0x143: {  	[tilespmem:s9], [sflag:$0x2] =	stream.indirect_vreg.gather [hbm4b:s1+s3], $0x80, v3, vm0, $0xb8;
	[tilespmem:$0x10100] =	vst v63  }
0x144: {  	v3 =	vld [tilespmem:$0xA0];
	_ =	sdelay $0x4  }
0x145: {  	v58 =	vshll.u32 v3, $0x1  }
0x146: {  	v3 =	vand.u32 $0x7, v3;
	v4 =	vand.u32 $0xFFFFFFF0, v58  }
0x147: {  	v3 =	vor.u32 v3, v4  }
0x148: {  	v4 =	vperm.xlane v3, v0;
	_ =	sdelay $0x1  }
0x149: {  	v3 =	vperm.xlane v3, v2;
	v4 =	vadd.s32 v1, v4;
	_ =	sdelay $0x1  }
0x14a: {  	v3 =	vadd.s32 v1, v3;
	_ =	sdelay $0x2  }
0x14b: {  	[tilespmem:s10], [sflag:$0x2] =	stream.indirect_vreg.gather [hbm4b:s1+s3], $0x80, v4, vm0, $0xb8;
	[tilespmem:$0x10100] =	vst v63  }
0x14c: {  	_ = 	snop  }
0x14d: {  	[tilespmem:s11], [sflag:$0x2] =	stream.indirect_vreg.gather [hbm4b:s1+s3], $0x80, v3, vm0, $0xb8;
	[tilespmem:$0x10100] =	vst v63  }
0x14e: {  	v3 =	vld [tilespmem:$0xB0];
	_ =	sdelay $0x4  }
0x14f: {  	v59 =	vshll.u32 v3, $0x1  }
0x150: {  	v3 =	vand.u32 $0x7, v3;
	v4 =	vand.u32 $0xFFFFFFF0, v59  }
0x151: {  	v3 =	vor.u32 v3, v4  }
0x152: {  	v4 =	vperm.xlane v3, v0;
	_ =	sdelay $0x1  }
0x153: {  	v3 =	vperm.xlane v3, v2;
	v4 =	vadd.s32 v1, v4;
	_ =	sdelay $0x1  }
0x154: {  	v3 =	vadd.s32 v1, v3;
	_ =	sdelay $0x2  }
0x155: {  	[tilespmem:s12], [sflag:$0x2] =	stream.indirect_vreg.gather [hbm4b:s1+s3], $0x80, v4, vm0, $0xb8;
	[tilespmem:$0x10100] =	vst v63  }
0x156: {  	_ = 	snop  }
0x157: {  	[tilespmem:s6], [sflag:$0x2] =	stream.indirect_vreg.gather [hbm4b:s1+s3], $0x80, v3, vm0, $0xb8;
	[tilespmem:$0x10100] =	vst v63  }
0x158: {  	v3 =	vld [tilespmem:$0xC0];
	_ =	sdelay $0x4  }
0x159: {  	v60 =	vshll.u32 v3, $0x1  }
0x15a: {  	v3 =	vand.u32 $0x7, v3;
	v4 =	vand.u32 $0xFFFFFFF0, v60  }
0x15b: {  	v3 =	vor.u32 v3, v4  }
0x15c: {  	v4 =	vperm.xlane v3, v0;
	_ =	sdelay $0x1  }
0x15d: {  	v3 =	vperm.xlane v3, v2;
	v4 =	vadd.s32 v1, v4;
	_ =	sdelay $0x1  }
0x15e: {  	v3 =	vadd.s32 v1, v3;
	_ =	sdelay $0x1  }
0x15f: {  	s13 =	simm.s32 $0xC100  }
0x160: {  	[tilespmem:s13], [sflag:$0x2] =	stream.indirect_vreg.gather [hbm4b:s1+s3], $0x80, v4, vm0, $0xb8;
	[tilespmem:$0x10100] =	vst v63  }
0x161: {  	s15 =	simm.s32 $0xC900  }
0x162: {  	[tilespmem:s15], [sflag:$0x2] =	stream.indirect_vreg.gather [hbm4b:s1+s3], $0x80, v3, vm0, $0xb8;
	[tilespmem:$0x10100] =	vst v63  }
0x163: {  	v3 =	vld [tilespmem:$0xD0];
	_ =	sdelay $0x4  }
0x164: {  	v61 =	vshll.u32 v3, $0x1  }
0x165: {  	v3 =	vand.u32 $0x7, v3;
	v4 =	vand.u32 $0xFFFFFFF0, v61  }
0x166: {  	v3 =	vor.u32 v3, v4  }
0x167: {  	v4 =	vperm.xlane v3, v0;
	_ =	sdelay $0x1  }
0x168: {  	v3 =	vperm.xlane v3, v2;
	v4 =	vadd.s32 v1, v4;
	_ =	sdelay $0x1  }
0x169: {  	v3 =	vadd.s32 v1, v3;
	_ =	sdelay $0x1  }
0x16a: {  	s13 =	simm.s32 $0xD100  }
0x16b: {  	[tilespmem:s13], [sflag:$0x2] =	stream.indirect_vreg.gather [hbm4b:s1+s3], $0x80, v4, vm0, $0xb8;
	[tilespmem:$0x10100] =	vst v63  }
0x16c: {  	s15 =	simm.s32 $0xD900  }
0x16d: {  	[tilespmem:s15], [sflag:$0x2] =	stream.indirect_vreg.gather [hbm4b:s1+s3], $0x80, v3, vm0, $0xb8;
	[tilespmem:$0x10100] =	vst v63  }
0x16e: {  	v3 =	vld [tilespmem:$0xE0];
	_ =	sdelay $0x4  }
0x16f: {  	v62 =	vshll.u32 v3, $0x1  }
0x170: {  	v3 =	vand.u32 $0x7, v3;
	v4 =	vand.u32 $0xFFFFFFF0, v62  }
0x171: {  	v3 =	vor.u32 v3, v4  }
0x172: {  	v4 =	vperm.xlane v3, v0;
	_ =	sdelay $0x1  }
0x173: {  	v3 =	vperm.xlane v3, v2;
	v4 =	vadd.s32 v1, v4;
	_ =	sdelay $0x1  }
0x174: {  	v3 =	vadd.s32 v1, v3;
	_ =	sdelay $0x1  }
0x175: {  	s13 =	simm.s32 $0xE100  }
0x176: {  	[tilespmem:s13], [sflag:$0x2] =	stream.indirect_vreg.gather [hbm4b:s1+s3], $0x80, v4, vm0, $0xb8;
	[tilespmem:$0x10100] =	vst v63  }
0x177: {  	s15 =	simm.s32 $0xE900  }
0x178: {  	[tilespmem:s15], [sflag:$0x2] =	stream.indirect_vreg.gather [hbm4b:s1+s3], $0x80, v3, vm0, $0xb8;
	[tilespmem:$0x10100] =	vst v63  }
0x179: {  	v3 =	vld [tilespmem:$0xF0];
	_ =	sdelay $0x4  }
0x17a: {  	v63 =	vshll.u32 v3, $0x1  }
0x17b: {  	v3 =	vand.u32 $0x7, v3;
	v4 =	vand.u32 $0xFFFFFFF0, v63  }
0x17c: {  	v3 =	vor.u32 v3, v4  }
0x17d: {  	v4 =	vperm.xlane v3, v0;
	_ =	sdelay $0x1  }
0x17e: {  	v3 =	vperm.xlane v3, v2;
	v4 =	vadd.s32 v1, v4;
	_ =	sdelay $0x1  }
0x17f: {  	v3 =	vadd.s32 v1, v3;
	_ =	sdelay $0x1  }
0x180: {  	s13 =	simm.s32 $0xF100  }
0x181: {  	[tilespmem:s13], [sflag:$0x2] =	stream.indirect_vreg.gather [hbm4b:s1+s3], $0x80, v4, vm0, $0xb8;
	[tilespmem:$0x10100] =	vst v63  }
0x182: {  	s15 =	simm.s32 $0xF900  }
0x183: {  	[tilespmem:s15], [sflag:$0x2] =	stream.indirect_vreg.gather [hbm4b:s1+s3], $0x80, v3, vm0, $0xb8;
	[tilespmem:$0x10100] =	vst v63  }
0x184: {  	_ =	swait.ge [sflag:s2], $0x8000  }
0x185: {  	[sflag:s2] =	ssyncset.done $0x0  }
0x186: {  	s13 =	simm.s32 $0x100;
	s6 =	rddreg [dreg:$0xa];
	[sflag:s2] =	ssyncadd.s32 $0xFFFF8000  }
0x187: {  	[hbm4b:s6+s3] =	stream.linear.scatter [tilespmem:s13], [sflag:$0x3], $0x8000, $0x38;
	[tilespmem:$0x10100] =	vst v63  }
0x188: {  	_ =	swait.ge [sflag:s5], $0x8000  }
0x189: {  	[sflag:s5] =	ssyncset.done $0x0  }
0x18a: {  	[sflag:s5] =	ssyncadd.s32 $0xFFFF8000  }
0x18b: {  	_ =	swait.ge [sflag:s14], $0x8000  }
0x18c: {  	p0 =	sne.s32 s4, $0x1;
	[sflag:s14] =	ssyncset.done $0x0  }
.Ltmp0:
0x18d: {  	s13 =	rddreg [dreg:$0xb];
	[sflag:s14] =	ssyncadd.s32 $0xFFFF8000;
	(pc) =	sbr.rel @p0 .LBB2_1-.Ltmp0, $4  }
0x18e: {  	[hbm4b:s13+s3] =	stream.linear.scatter [tilespmem:s0], [sflag:$0x3], $0x8000, $0x38;
	[tilespmem:$0x10100] =	vst v63  }
0x18f: {  	_ =	swait.ge [sflag:s5], $0x8000  }
0x190: {  	[sflag:s5] =	ssyncset.done $0x0  }
0x191: {  	s4 =	sadd.s32 $0xFFFFFFFF, s4;
	[sflag:s5] =	ssyncadd.s32 $0xFFFF8000  }
0x192: {  	_ =	sfence.sel $0x180000  }
0x193: {  	[bflag:$0x0] =	sbarrier.arrive $0xFFFF  }
0x194: {  	_ =	strace $0x90000047  }
0x195: {  	s0 =	stileid.u32;
	[bflag:$0x2] =	sbarrier.arrive $0xFFFF  }
0x196: {  	p0 =	sne.s32 s0, $0x0;
	s0 =	rddreg [dreg:$0x3]  }
0x197: {  	s0 =	sadd.s32 @!p0 $0x100000, s0  }
0x198: {  	[sflag:s0] =	ssyncadd.tile.s32 @!p0 $0x1;
	_ =	shalt  }
.Lfunc_end2:
_tile_overlayer_lowered:
.L_overlay_start_2:
0x199: {  	(tag) =	ssettag $0x2  }
0x19a: {  	s0 =	rddreg [dreg:$0x0];
	s2 =	stileid.u32  }
0x19b: {  	s1 =	rddreg [dreg:$0x1];
	p0 =	sne.s32 s2, $0x0  }
0x19c: {  	s3 =	rddreg [dreg:$0x2];
	[bflag:$0x3] =	sbarrier.arrive $0xFFFF;
	s2 =	simm.s32 @!p0 $0x1C03  }
0x19d: {  	[timem:s3], [sflag:s2] =	dma.local @!p0 [hbm:s0], s1  }
0x19e: {  	s0 =	simm.s32 @!p0 $0x3  }
0x19f: {  	_ =	swait.ge @!p0 [sflag:s0], s1  }
0x1a0: {  	s1 =	ssub.s32 @!p0 $0x0, s1;
	[sflag:s0] =	ssyncset.done @!p0 $0x0  }
0x1a1: {  	[sflag:s0] =	ssyncadd.s32 @!p0 s1  }
0x1a2: {  	[bflag:$0x3] =	sbarrier.arrive $0xFFFF  }
0x1a3: {  	_ =	shalt  }

</sc_bundles>
